<compile_context>
chip_gen: v7x
topology: tpu7x:2x2x1
jax: 0.10.2.dev20260603
libtpu: 0.0.44.dev20260713+nightly
codegen_flags: <defaults>
</compile_context>

<pallas_src>
import functools

import jax
import jax.numpy as jnp
from jax import lax
from jax.experimental import pallas as pl
from jax.experimental.pallas import tpu as pltpu
from jax.experimental.pallas import tpu_sc as plsc

N_NODES = 10000
N_PAD = 10240
D = 128
N_EDGES = 320000
NC, NS = 2, 16
NW = NC * NS
EDGES_PER_TILE = N_EDGES // NW
BATCH = 128
NBATCH = 78
TAIL = EDGES_PER_TILE - NBATCH * BATCH
N_SH = 10240
ROWS_SH = N_SH // NS
ROWS_PER_TILE = N_PAD // NS
RB = 512
GRID = N_PAD // RB

_mesh = plsc.VectorSubcoreMesh(core_axis_name="c", subcore_axis_name="s")



@functools.partial(
    pl.kernel,
    out_type=jax.ShapeDtypeStruct((NC, N_PAD), jnp.float32),
    mesh=_mesh,
    scratch_types=[
        pltpu.VMEM((NBATCH, BATCH), jnp.int32),
        pltpu.VMEM((TAIL,), jnp.int32),
        pltpu.VMEM((BATCH,), jnp.float32),
        pltpu.VMEM_SHARED((N_PAD,), jnp.float32),
        pltpu.SemaphoreType.DMA,
    ],
)
def _sc_degree(dst_hbm, dstt_hbm, ones_hbm, zeros_hbm, deg_hbm,
               dstv, dstt, onesv, shared, sem):
    c = lax.axis_index("c")
    s = lax.axis_index("s")
    wid = c * NS + s
    pltpu.sync_copy(dst_hbm.at[wid], dstv)
    pltpu.sync_copy(dstt_hbm.at[wid], dstt)
    pltpu.sync_copy(ones_hbm, onesv)
    pltpu.sync_copy(zeros_hbm.at[pl.ds(s * ROWS_PER_TILE, ROWS_PER_TILE)],
                    shared.at[pl.ds(s * ROWS_PER_TILE, ROWS_PER_TILE)])
    plsc.subcore_barrier()

    def body(j, carry):
        pltpu.sync_copy(onesv, shared.at[dstv.at[j]], add=True)
        return carry

    lax.fori_loop(0, NBATCH, body, 0)
    pltpu.sync_copy(onesv.at[pl.ds(0, TAIL)], shared.at[dstt], add=True)
    plsc.subcore_barrier()
    pltpu.sync_copy(shared.at[pl.ds(s * ROWS_PER_TILE, ROWS_PER_TILE)],
                    deg_hbm.at[c, pl.ds(s * ROWS_PER_TILE, ROWS_PER_TILE)])


@functools.partial(
    pl.kernel,
    out_type=jax.ShapeDtypeStruct((NC, N_PAD, D), jnp.float32),
    mesh=_mesh,
    scratch_types=[
        pltpu.VMEM((NBATCH, BATCH), jnp.int32),
        pltpu.VMEM((NBATCH, BATCH), jnp.int32),
        pltpu.VMEM((TAIL,), jnp.int32),
        pltpu.VMEM((TAIL,), jnp.int32),
        pltpu.VMEM((BATCH, D), jnp.float32),
        pltpu.VMEM_SHARED((N_SH, D), jnp.float32),
        pltpu.SemaphoreType.DMA,
    ],
)
def _sc_aggregate(hs_hbm, src_hbm, dst_hbm, srct_hbm, dstt_hbm,
                  zeros_hbm, agg_hbm,
                  srcv, dstv, srct, dstt, rows, shared, gsem):
    c = lax.axis_index("c")
    s = lax.axis_index("s")
    wid = c * NS + s
    pltpu.sync_copy(src_hbm.at[wid], srcv)
    pltpu.sync_copy(dst_hbm.at[wid], dstv)
    pltpu.sync_copy(srct_hbm.at[wid], srct)
    pltpu.sync_copy(dstt_hbm.at[wid], dstt)
    pltpu.sync_copy(zeros_hbm, shared.at[pl.ds(s * ROWS_SH, ROWS_SH)])
    plsc.subcore_barrier()

    def body(j, carry):
        pltpu.async_copy(hs_hbm.at[srcv.at[j]], rows, gsem).wait()
        pltpu.sync_copy(rows, shared.at[dstv.at[j]], add=True)
        return carry

    lax.fori_loop(0, NBATCH, body, 0)
    pltpu.async_copy(hs_hbm.at[srct], rows.at[pl.ds(0, TAIL)], gsem).wait()
    pltpu.sync_copy(rows.at[pl.ds(0, TAIL)], shared.at[dstt], add=True)

    plsc.subcore_barrier()
    pltpu.sync_copy(shared.at[pl.ds(s * ROWS_SH, ROWS_SH)],
                    agg_hbm.at[c, pl.ds(s * ROWS_SH, ROWS_SH)])



def _m1_body(x_ref, w_ref, deg_ref, hs_ref, dis_ref):
    d = deg_ref[...]
    dis = lax.rsqrt(d[0] + d[1] + 1.0)
    h = jnp.dot(x_ref[...], w_ref[...], preferred_element_type=jnp.float32)
    hs_ref[...] = h * dis
    dis_ref[...] = dis


def _m2_body(agg_ref, hs1_ref, dis_ref, b_ref, w_ref, out_ref):
    a = agg_ref[...]
    dis = dis_ref[...]
    agg = a[0] + a[1] + hs1_ref[...]
    o1 = jnp.maximum(agg * dis + b_ref[...], 0.0)
    h2 = jnp.dot(o1, w_ref[...], preferred_element_type=jnp.float32)
    row = lax.broadcasted_iota(jnp.int32, (RB, 1), 0) + pl.program_id(0) * RB
    keep = (row < N_NODES).astype(jnp.float32)
    out_ref[...] = h2 * dis * keep


def _m3_body(agg_ref, hs2_ref, dis_ref, b_ref, out_ref):
    a = agg_ref[...]
    out_ref[...] = (a[0] + a[1] + hs2_ref[...]) * dis_ref[...] + b_ref[...]


_m1 = pl.pallas_call(
    _m1_body,
    grid=(GRID,),
    in_specs=[
        pl.BlockSpec((RB, D), lambda i: (i, 0)),
        pl.BlockSpec((D, D), lambda i: (0, 0)),
        pl.BlockSpec((NC, RB, 1), lambda i: (0, i, 0)),
    ],
    out_specs=[
        pl.BlockSpec((RB, D), lambda i: (i, 0)),
        pl.BlockSpec((RB, 1), lambda i: (i, 0)),
    ],
    out_shape=[
        jax.ShapeDtypeStruct((N_PAD, D), jnp.float32),
        jax.ShapeDtypeStruct((N_PAD, 1), jnp.float32),
    ],
)

_m2 = pl.pallas_call(
    _m2_body,
    grid=(GRID,),
    in_specs=[
        pl.BlockSpec((NC, RB, D), lambda i: (0, i, 0)),
        pl.BlockSpec((RB, D), lambda i: (i, 0)),
        pl.BlockSpec((RB, 1), lambda i: (i, 0)),
        pl.BlockSpec((1, D), lambda i: (0, 0)),
        pl.BlockSpec((D, D), lambda i: (0, 0)),
    ],
    out_specs=pl.BlockSpec((RB, D), lambda i: (i, 0)),
    out_shape=jax.ShapeDtypeStruct((N_PAD, D), jnp.float32),
)

_m3 = pl.pallas_call(
    _m3_body,
    grid=(GRID,),
    in_specs=[
        pl.BlockSpec((NC, RB, D), lambda i: (0, i, 0)),
        pl.BlockSpec((RB, D), lambda i: (i, 0)),
        pl.BlockSpec((RB, 1), lambda i: (i, 0)),
        pl.BlockSpec((1, D), lambda i: (0, 0)),
    ],
    out_specs=pl.BlockSpec((RB, D), lambda i: (i, 0)),
    out_shape=jax.ShapeDtypeStruct((N_PAD, D), jnp.float32),
)


def kernel(x, edge_index, W1, b1, W2, b2):
    src = edge_index[0].astype(jnp.int32)
    dst = edge_index[1].astype(jnp.int32)
    src2 = src.reshape(NW, EDGES_PER_TILE)
    dst2 = dst.reshape(NW, EDGES_PER_TILE)
    src3 = src2[:, :NBATCH * BATCH].reshape(NW, NBATCH, BATCH)
    dst3 = dst2[:, :NBATCH * BATCH].reshape(NW, NBATCH, BATCH)
    src_t = src2[:, NBATCH * BATCH:]
    dst_t = dst2[:, NBATCH * BATCH:]

    x_pad = jnp.pad(x, ((0, N_PAD - N_NODES), (0, 0)))
    ones_b = jnp.ones((BATCH,), jnp.float32)
    zeros1 = jnp.zeros((N_PAD,), jnp.float32)
    zeros2 = jnp.zeros((ROWS_SH, D), jnp.float32)

    deg_p = _sc_degree(dst3, dst_t, ones_b, zeros1)
    deg_r = deg_p.reshape(NC, N_PAD, 1)

    hs1, dis = _m1(x_pad, W1, deg_r)
    agg1 = _sc_aggregate(hs1, src3, dst3, src_t, dst_t, zeros2)
    hs2 = _m2(agg1, hs1, dis, b1.reshape(1, D), W2)
    agg2 = _sc_aggregate(hs2, src3, dst3, src_t, dst_t, zeros2)
    out = _m3(agg2, hs2, dis, b2.reshape(1, D))
    return out[:N_NODES]

# --- scband reference (transcript-rebuilt; emitter-appended) ---
"""Pipeline reference for scband-gcn-66211215835752 (READ-ONLY COPY).

The authoritative reference and input builder live on the scoring server;
editing this copy changes nothing except your own understanding.
"""

import jax, jax.numpy as jnp
import numpy as np

N_NODES = 10000
N_EDGES = 320000
D_IN = 128
D_HID = 128
D_OUT = 128


def _gcn_conv(x, src, dst, W, b, n_nodes):
    # Linear transform first (standard GCNConv order)
    h = x @ W
    # Degree computed on destination nodes (self-loops already included)
    deg = jnp.zeros((n_nodes,), dtype=h.dtype).at[dst].add(1.0)
    deg_inv_sqrt = jax.lax.rsqrt(jnp.maximum(deg, 1.0))
    norm = deg_inv_sqrt[src] * deg_inv_sqrt[dst]
    # Gather messages from source nodes, scale, scatter-add to destinations
    msg = h[src] * norm[:, None]
    out = jnp.zeros((n_nodes, h.shape[1]), dtype=h.dtype).at[dst].add(msg)
    return out + b


def setup_inputs(seed: int = 0) -> dict:
    key = jax.random.key(seed)
    k1, k2, k3, k4, k5, k6 = jax.random.split(key, 6)
    x = jax.random.normal(k1, (N_NODES, D_IN), dtype=jnp.float32)
    edge_index = jax.random.randint(k2, (2, N_EDGES), 0, N_NODES)
    W1 = jax.random.normal(k3, (D_IN, D_HID), dtype=jnp.float32) * (1.0 / np.sqrt(D_IN))
    b1 = jnp.zeros((D_HID,), dtype=jnp.float32)
    W2 = jax.random.normal(k4, (D_HID, D_OUT), dtype=jnp.float32) * (1.0 / np.sqrt(D_HID))
    b2 = jnp.zeros((D_OUT,), dtype=jnp.float32)
    return {"x": x, "edge_index": edge_index, "W1": W1, "b1": b1, "W2": W2, "b2": b2}


def reference(x, edge_index, W1, b1, W2, b2):
    n_nodes = x.shape[0]
    # GCNConv adds self-loops by default
    loops = jnp.arange(n_nodes, dtype=edge_index.dtype)
    src = jnp.concatenate([edge_index[0], loops])
    dst = jnp.concatenate([edge_index[1], loops])
    h = _gcn_conv(x, src, dst, W1, b1, n_nodes)
    h = jax.nn.relu(h)
    out = _gcn_conv(h, src, dst, W2, b2, n_nodes)
    return out

if __name__ == "__main__":
    import jax
    _d = setup_inputs()
    print(jax.jit(kernel)(*tuple(_d.values())))

</pallas_src>

<mosaic_0001>
#map = affine_map<(d0, d1) -> (0, 0, 0)>
#map1 = affine_map<(d0, d1) -> (0, 0)>
#map2 = affine_map<(d0, d1) -> (0)>
module attributes {stable_mosaic.version = 14 : i64} {
  func.func @_sc_degree(%arg0: i32, %arg1: i32, %arg2: memref<32x78x128xi32, #tpu.memory_space<hbm>>, %arg3: memref<32x16xi32, #tpu.memory_space<hbm>>, %arg4: memref<128xf32, #tpu.memory_space<hbm>>, %arg5: memref<10240xf32, #tpu.memory_space<hbm>>, %arg6: memref<2x10240xf32, #tpu.memory_space<hbm>>, %arg7: memref<78x128xi32, #tpu.memory_space<vmem>>, %arg8: memref<16xi32, #tpu.memory_space<vmem>>, %arg9: memref<128xf32, #tpu.memory_space<vmem>>, %arg10: memref<10240xf32, #tpu.memory_space<vmem_shared>>, %arg11: memref<!tpu.dma_semaphore, #tpu.memory_space<semaphore_mem>>) attributes {dimension_semantics = [#tpu.dimension_semantics<core_parallel>, #tpu.dimension_semantics<subcore_parallel>], iteration_bounds = array<i64: 2, 16>, scalar_prefetch = 0 : i64, scratch_operands = 5 : i64, tpu.core_type = #tpu.core_type<sc_vector_subcore>, window_params = [{transform_indices = #map}, {transform_indices = #map1}, {transform_indices = #map2}, {transform_indices = #map2}, {transform_indices = #map1}]} {
    %mul3A = arith.constant 16 : i32
    %mul3A_0 = arith.muli %arg0, %mul3A : i32
    %add3A = arith.addi %mul3A_0, %arg1 : i32
    "tpu.region"() ({
      %run_scoped3A = tpu.sem_alloc : memref<!tpu.dma_semaphore, #tpu.memory_space<semaphore_mem>>
      %dma_start3A = arith.constant 0 : i32
      %dma_start3A_15 = arith.constant 0 : i32
      %dma_start3A_16 = tpu.memref_slice %arg2[%add3A, %dma_start3A, %dma_start3A_15] : memref<32x78x128xi32, #tpu.memory_space<hbm>> -> memref<1x78x128xi32, #tpu.memory_space<hbm>>
      %dma_start3A_17 = tpu.memref_squeeze %dma_start3A_16 : memref<1x78x128xi32, #tpu.memory_space<hbm>> -> memref<78x128xi32, #tpu.memory_space<hbm>>
      %dma_start3A_18 = arith.constant 0 : i32
      %dma_start3A_19 = arith.constant 0 : i32
      %dma_start3A_20 = tpu.memref_slice %arg2[%add3A, %dma_start3A_18, %dma_start3A_19] : memref<32x78x128xi32, #tpu.memory_space<hbm>> -> memref<1x78x128xi32, #tpu.memory_space<hbm>>
      %dma_start3A_21 = tpu.memref_squeeze %dma_start3A_20 : memref<1x78x128xi32, #tpu.memory_space<hbm>> -> memref<78x128xi32, #tpu.memory_space<hbm>>
      tpu.enqueue_dma source(%dma_start3A_21 : memref<78x128xi32, #tpu.memory_space<hbm>>) target(%arg7 : memref<78x128xi32, #tpu.memory_space<vmem>>) target_semaphore(%run_scoped3A : memref<!tpu.dma_semaphore, #tpu.memory_space<semaphore_mem>>)
      %dma_wait3A = arith.constant 0 : i32
      %dma_wait3A_22 = arith.constant 0 : i32
      %dma_wait3A_23 = tpu.memref_slice %arg2[%add3A, %dma_wait3A, %dma_wait3A_22] : memref<32x78x128xi32, #tpu.memory_space<hbm>> -> memref<1x78x128xi32, #tpu.memory_space<hbm>>
      %dma_wait3A_24 = tpu.memref_squeeze %dma_wait3A_23 : memref<1x78x128xi32, #tpu.memory_space<hbm>> -> memref<78x128xi32, #tpu.memory_space<hbm>>
      %dma_wait3A_25 = arith.constant 0 : i32
      %dma_wait3A_26 = arith.constant 0 : i32
      %dma_wait3A_27 = tpu.memref_slice %arg2[%add3A, %dma_wait3A_25, %dma_wait3A_26] : memref<32x78x128xi32, #tpu.memory_space<hbm>> -> memref<1x78x128xi32, #tpu.memory_space<hbm>>
      %dma_wait3A_28 = tpu.memref_squeeze %dma_wait3A_27 : memref<1x78x128xi32, #tpu.memory_space<hbm>> -> memref<78x128xi32, #tpu.memory_space<hbm>>
      tpu.wait_dma2 semaphore(%run_scoped3A : memref<!tpu.dma_semaphore, #tpu.memory_space<semaphore_mem>>) src(%dma_wait3A_28 : memref<78x128xi32, #tpu.memory_space<hbm>>) dst(%arg7 : memref<78x128xi32, #tpu.memory_space<vmem>>)
      tpu.yield
    }) : () -> ()
    "tpu.region"() ({
      %run_scoped3A = tpu.sem_alloc : memref<!tpu.dma_semaphore, #tpu.memory_space<semaphore_mem>>
      %dma_start3A = arith.constant 0 : i32
      %dma_start3A_15 = tpu.memref_slice %arg3[%add3A, %dma_start3A] : memref<32x16xi32, #tpu.memory_space<hbm>> -> memref<1x16xi32, #tpu.memory_space<hbm>>
      %dma_start3A_16 = tpu.memref_squeeze %dma_start3A_15 : memref<1x16xi32, #tpu.memory_space<hbm>> -> memref<16xi32, #tpu.memory_space<hbm>>
      %dma_start3A_17 = arith.constant 0 : i32
      %dma_start3A_18 = tpu.memref_slice %arg3[%add3A, %dma_start3A_17] : memref<32x16xi32, #tpu.memory_space<hbm>> -> memref<1x16xi32, #tpu.memory_space<hbm>>
      %dma_start3A_19 = tpu.memref_squeeze %dma_start3A_18 : memref<1x16xi32, #tpu.memory_space<hbm>> -> memref<16xi32, #tpu.memory_space<hbm>>
      tpu.enqueue_dma source(%dma_start3A_19 : memref<16xi32, #tpu.memory_space<hbm>>) target(%arg8 : memref<16xi32, #tpu.memory_space<vmem>>) target_semaphore(%run_scoped3A : memref<!tpu.dma_semaphore, #tpu.memory_space<semaphore_mem>>)
      %dma_wait3A = arith.constant 0 : i32
      %dma_wait3A_20 = tpu.memref_slice %arg3[%add3A, %dma_wait3A] : memref<32x16xi32, #tpu.memory_space<hbm>> -> memref<1x16xi32, #tpu.memory_space<hbm>>
      %dma_wait3A_21 = tpu.memref_squeeze %dma_wait3A_20 : memref<1x16xi32, #tpu.memory_space<hbm>> -> memref<16xi32, #tpu.memory_space<hbm>>
      %dma_wait3A_22 = arith.constant 0 : i32
      %dma_wait3A_23 = tpu.memref_slice %arg3[%add3A, %dma_wait3A_22] : memref<32x16xi32, #tpu.memory_space<hbm>> -> memref<1x16xi32, #tpu.memory_space<hbm>>
      %dma_wait3A_24 = tpu.memref_squeeze %dma_wait3A_23 : memref<1x16xi32, #tpu.memory_space<hbm>> -> memref<16xi32, #tpu.memory_space<hbm>>
      tpu.wait_dma2 semaphore(%run_scoped3A : memref<!tpu.dma_semaphore, #tpu.memory_space<semaphore_mem>>) src(%dma_wait3A_24 : memref<16xi32, #tpu.memory_space<hbm>>) dst(%arg8 : memref<16xi32, #tpu.memory_space<vmem>>)
      tpu.yield
    }) : () -> ()
    "tpu.region"() ({
      %run_scoped3A = tpu.sem_alloc : memref<!tpu.dma_semaphore, #tpu.memory_space<semaphore_mem>>
      tpu.enqueue_dma source(%arg4 : memref<128xf32, #tpu.memory_space<hbm>>) target(%arg9 : memref<128xf32, #tpu.memory_space<vmem>>) target_semaphore(%run_scoped3A : memref<!tpu.dma_semaphore, #tpu.memory_space<semaphore_mem>>)
      tpu.wait_dma2 semaphore(%run_scoped3A : memref<!tpu.dma_semaphore, #tpu.memory_space<semaphore_mem>>) src(%arg4 : memref<128xf32, #tpu.memory_space<hbm>>) dst(%arg9 : memref<128xf32, #tpu.memory_space<vmem>>)
      tpu.yield
    }) : () -> ()
    %mul3A_1 = arith.constant 640 : i32
    %mul3A_2 = arith.muli %arg1, %mul3A_1 : i32
    %mul3A_3 = arith.constant 640 : i32
    %mul3A_4 = arith.muli %arg1, %mul3A_3 : i32
    "tpu.region"() ({
      %run_scoped3A = tpu.sem_alloc : memref<!tpu.dma_semaphore, #tpu.memory_space<semaphore_mem>>
      %dma_start3A = tpu.memref_slice %arg10[%mul3A_4] : memref<10240xf32, #tpu.memory_space<vmem_shared>> -> memref<640xf32, #tpu.memory_space<vmem_shared>>
      %dma_start3A_15 = tpu.memref_slice %arg5[%mul3A_2] : memref<10240xf32, #tpu.memory_space<hbm>> -> memref<640xf32, #tpu.memory_space<hbm>>
      tpu.enqueue_dma source(%dma_start3A_15 : memref<640xf32, #tpu.memory_space<hbm>>) target(%dma_start3A : memref<640xf32, #tpu.memory_space<vmem_shared>>) target_semaphore(%run_scoped3A : memref<!tpu.dma_semaphore, #tpu.memory_space<semaphore_mem>>)
      %dma_wait3A = tpu.memref_slice %arg10[%mul3A_4] : memref<10240xf32, #tpu.memory_space<vmem_shared>> -> memref<640xf32, #tpu.memory_space<vmem_shared>>
      %dma_wait3A_16 = tpu.memref_slice %arg5[%mul3A_2] : memref<10240xf32, #tpu.memory_space<hbm>> -> memref<640xf32, #tpu.memory_space<hbm>>
      tpu.wait_dma2 semaphore(%run_scoped3A : memref<!tpu.dma_semaphore, #tpu.memory_space<semaphore_mem>>) src(%dma_wait3A_16 : memref<640xf32, #tpu.memory_space<hbm>>) dst(%dma_wait3A : memref<640xf32, #tpu.memory_space<vmem_shared>>)
      tpu.yield
    }) : () -> ()
    %barrier3A = arith.constant 0 : index
    tpu.barrier barrier_id(%barrier3A)
    %scan3A = arith.constant 0 : i32
    %scan3A_5 = arith.constant 0 : i32
    %scan3A_6 = arith.constant 78 : i32
    %scan3A_7 = arith.addi %scan3A_5, %scan3A_6 : i32
    %scan3A_8 = arith.constant 1 : i32
    scf.for %scan3A_15 = %scan3A_5 to %scan3A_7 step %scan3A_8  : i32 {
      "tpu.region"() ({
        %run_scoped3A = tpu.sem_alloc : memref<!tpu.dma_semaphore, #tpu.memory_space<semaphore_mem>>
        %dma_start3A = arith.constant 0 : i32
        %dma_start3A_16 = tpu.memref_slice %arg7[%scan3A_15, %dma_start3A] : memref<78x128xi32, #tpu.memory_space<vmem>> -> memref<1x128xi32, #tpu.memory_space<vmem>>
        %dma_start3A_17 = tpu.memref_squeeze %dma_start3A_16 : memref<1x128xi32, #tpu.memory_space<vmem>> -> memref<128xi32, #tpu.memory_space<vmem>>
        %dma_start3A_18 = arith.constant 0 : i32
        %dma_start3A_19 = tpu.memref_slice %arg10[%dma_start3A_18] : memref<10240xf32, #tpu.memory_space<vmem_shared>> -> memref<10240xf32, #tpu.memory_space<vmem_shared>>
        tpu.enqueue_indirect_dma source(%arg9 : memref<128xf32, #tpu.memory_space<vmem>>) target(%dma_start3A_19 : memref<10240xf32, #tpu.memory_space<vmem_shared>>) offsets(%dma_start3A_17 : memref<128xi32, #tpu.memory_space<vmem>>) semaphore(%run_scoped3A : memref<!tpu.dma_semaphore, #tpu.memory_space<semaphore_mem>>) {add = true}
        %dma_wait3A = arith.constant 0 : i32
        %dma_wait3A_20 = tpu.memref_slice %arg7[%scan3A_15, %dma_wait3A] : memref<78x128xi32, #tpu.memory_space<vmem>> -> memref<1x128xi32, #tpu.memory_space<vmem>>
        %dma_wait3A_21 = tpu.memref_squeeze %dma_wait3A_20 : memref<1x128xi32, #tpu.memory_space<vmem>> -> memref<128xi32, #tpu.memory_space<vmem>>
        %dma_wait3A_22 = arith.constant 0 : i32
        %dma_wait3A_23 = tpu.memref_slice %arg10[%dma_wait3A_22] : memref<10240xf32, #tpu.memory_space<vmem_shared>> -> memref<10240xf32, #tpu.memory_space<vmem_shared>>
        tpu.wait_indirect_dma semaphore(%run_scoped3A : memref<!tpu.dma_semaphore, #tpu.memory_space<semaphore_mem>>) src(%arg9 : memref<128xf32, #tpu.memory_space<vmem>>) dst(%dma_wait3A_23 : memref<10240xf32, #tpu.memory_space<vmem_shared>>)
        tpu.yield
      }) : () -> ()
    }
    %scan3A_9 = arith.constant 78 : i32
    "tpu.region"() ({
      %run_scoped3A = tpu.sem_alloc : memref<!tpu.dma_semaphore, #tpu.memory_space<semaphore_mem>>
      %dma_start3A = arith.constant 0 : i32
      %dma_start3A_15 = tpu.memref_slice %arg9[%dma_start3A] : memref<128xf32, #tpu.memory_space<vmem>> -> memref<16xf32, #tpu.memory_space<vmem>>
      %dma_start3A_16 = arith.constant 0 : i32
      %dma_start3A_17 = tpu.memref_slice %arg10[%dma_start3A_16] : memref<10240xf32, #tpu.memory_space<vmem_shared>> -> memref<10240xf32, #tpu.memory_space<vmem_shared>>
      tpu.enqueue_indirect_dma source(%dma_start3A_15 : memref<16xf32, #tpu.memory_space<vmem>>) target(%dma_start3A_17 : memref<10240xf32, #tpu.memory_space<vmem_shared>>) offsets(%arg8 : memref<16xi32, #tpu.memory_space<vmem>>) semaphore(%run_scoped3A : memref<!tpu.dma_semaphore, #tpu.memory_space<semaphore_mem>>) {add = true}
      %dma_wait3A = arith.constant 0 : i32
      %dma_wait3A_18 = tpu.memref_slice %arg9[%dma_wait3A] : memref<128xf32, #tpu.memory_space<vmem>> -> memref<16xf32, #tpu.memory_space<vmem>>
      %dma_wait3A_19 = arith.constant 0 : i32
      %dma_wait3A_20 = tpu.memref_slice %arg10[%dma_wait3A_19] : memref<10240xf32, #tpu.memory_space<vmem_shared>> -> memref<10240xf32, #tpu.memory_space<vmem_shared>>
      tpu.wait_indirect_dma semaphore(%run_scoped3A : memref<!tpu.dma_semaphore, #tpu.memory_space<semaphore_mem>>) src(%dma_wait3A_18 : memref<16xf32, #tpu.memory_space<vmem>>) dst(%dma_wait3A_20 : memref<10240xf32, #tpu.memory_space<vmem_shared>>)
      tpu.yield
    }) : () -> ()
    %barrier3A_10 = arith.constant 0 : index
    tpu.barrier barrier_id(%barrier3A_10)
    %mul3A_11 = arith.constant 640 : i32
    %mul3A_12 = arith.muli %arg1, %mul3A_11 : i32
    %mul3A_13 = arith.constant 640 : i32
    %mul3A_14 = arith.muli %arg1, %mul3A_13 : i32
    "tpu.region"() ({
      %run_scoped3A = tpu.sem_alloc : memref<!tpu.dma_semaphore, #tpu.memory_space<semaphore_mem>>
      %dma_start3A = tpu.memref_slice %arg6[%arg0, %mul3A_14] : memref<2x10240xf32, #tpu.memory_space<hbm>> -> memref<1x640xf32, #tpu.memory_space<hbm>>
      %dma_start3A_15 = tpu.memref_squeeze %dma_start3A : memref<1x640xf32, #tpu.memory_space<hbm>> -> memref<640xf32, #tpu.memory_space<hbm>>
      %dma_start3A_16 = tpu.memref_slice %arg10[%mul3A_12] : memref<10240xf32, #tpu.memory_space<vmem_shared>> -> memref<640xf32, #tpu.memory_space<vmem_shared>>
      tpu.enqueue_dma source(%dma_start3A_16 : memref<640xf32, #tpu.memory_space<vmem_shared>>) target(%dma_start3A_15 : memref<640xf32, #tpu.memory_space<hbm>>) target_semaphore(%run_scoped3A : memref<!tpu.dma_semaphore, #tpu.memory_space<semaphore_mem>>)
      %dma_wait3A = tpu.memref_slice %arg6[%arg0, %mul3A_14] : memref<2x10240xf32, #tpu.memory_space<hbm>> -> memref<1x640xf32, #tpu.memory_space<hbm>>
      %dma_wait3A_17 = tpu.memref_squeeze %dma_wait3A : memref<1x640xf32, #tpu.memory_space<hbm>> -> memref<640xf32, #tpu.memory_space<hbm>>
      %dma_wait3A_18 = tpu.memref_slice %arg10[%mul3A_12] : memref<10240xf32, #tpu.memory_space<vmem_shared>> -> memref<640xf32, #tpu.memory_space<vmem_shared>>
      tpu.wait_dma2 semaphore(%run_scoped3A : memref<!tpu.dma_semaphore, #tpu.memory_space<semaphore_mem>>) src(%dma_wait3A_18 : memref<640xf32, #tpu.memory_space<vmem_shared>>) dst(%dma_wait3A_17 : memref<640xf32, #tpu.memory_space<hbm>>)
      tpu.yield
    }) : () -> ()
    return
  }
}

#map = affine_map<(d0, d1) -> (0, 0)>
#map1 = affine_map<(d0, d1) -> (0, 0, 0)>
module attributes {stable_mosaic.version = 14 : i64} {
  func.func @_sc_aggregate(%arg0: i32, %arg1: i32, %arg2: memref<10240x128xf32, #tpu.memory_space<hbm>>, %arg3: memref<32x78x128xi32, #tpu.memory_space<hbm>>, %arg4: memref<32x78x128xi32, #tpu.memory_space<hbm>>, %arg5: memref<32x16xi32, #tpu.memory_space<hbm>>, %arg6: memref<32x16xi32, #tpu.memory_space<hbm>>, %arg7: memref<640x128xf32, #tpu.memory_space<hbm>>, %arg8: memref<2x10240x128xf32, #tpu.memory_space<hbm>>, %arg9: memref<78x128xi32, #tpu.memory_space<vmem>>, %arg10: memref<78x128xi32, #tpu.memory_space<vmem>>, %arg11: memref<16xi32, #tpu.memory_space<vmem>>, %arg12: memref<16xi32, #tpu.memory_space<vmem>>, %arg13: memref<128x128xf32, #tpu.memory_space<vmem>>, %arg14: memref<10240x128xf32, #tpu.memory_space<vmem_shared>>, %arg15: memref<!tpu.dma_semaphore, #tpu.memory_space<semaphore_mem>>) attributes {dimension_semantics = [#tpu.dimension_semantics<core_parallel>, #tpu.dimension_semantics<subcore_parallel>], iteration_bounds = array<i64: 2, 16>, scalar_prefetch = 0 : i64, scratch_operands = 7 : i64, tpu.core_type = #tpu.core_type<sc_vector_subcore>, window_params = [{transform_indices = #map}, {transform_indices = #map1}, {transform_indices = #map1}, {transform_indices = #map}, {transform_indices = #map}, {transform_indices = #map}, {transform_indices = #map1}]} {
    %mul3A = arith.constant 16 : i32
    %mul3A_0 = arith.muli %arg0, %mul3A : i32
    %add3A = arith.addi %mul3A_0, %arg1 : i32
    "tpu.region"() ({
      %run_scoped3A = tpu.sem_alloc : memref<!tpu.dma_semaphore, #tpu.memory_space<semaphore_mem>>
      %dma_start3A_23 = arith.constant 0 : i32
      %dma_start3A_24 = arith.constant 0 : i32
      %dma_start3A_25 = tpu.memref_slice %arg3[%add3A, %dma_start3A_23, %dma_start3A_24] : memref<32x78x128xi32, #tpu.memory_space<hbm>> -> memref<1x78x128xi32, #tpu.memory_space<hbm>>
      %dma_start3A_26 = tpu.memref_squeeze %dma_start3A_25 : memref<1x78x128xi32, #tpu.memory_space<hbm>> -> memref<78x128xi32, #tpu.memory_space<hbm>>
      %dma_start3A_27 = arith.constant 0 : i32
      %dma_start3A_28 = arith.constant 0 : i32
      %dma_start3A_29 = tpu.memref_slice %arg3[%add3A, %dma_start3A_27, %dma_start3A_28] : memref<32x78x128xi32, #tpu.memory_space<hbm>> -> memref<1x78x128xi32, #tpu.memory_space<hbm>>
      %dma_start3A_30 = tpu.memref_squeeze %dma_start3A_29 : memref<1x78x128xi32, #tpu.memory_space<hbm>> -> memref<78x128xi32, #tpu.memory_space<hbm>>
      tpu.enqueue_dma source(%dma_start3A_30 : memref<78x128xi32, #tpu.memory_space<hbm>>) target(%arg9 : memref<78x128xi32, #tpu.memory_space<vmem>>) target_semaphore(%run_scoped3A : memref<!tpu.dma_semaphore, #tpu.memory_space<semaphore_mem>>)
      %dma_wait3A_31 = arith.constant 0 : i32
      %dma_wait3A_32 = arith.constant 0 : i32
      %dma_wait3A_33 = tpu.memref_slice %arg3[%add3A, %dma_wait3A_31, %dma_wait3A_32] : memref<32x78x128xi32, #tpu.memory_space<hbm>> -> memref<1x78x128xi32, #tpu.memory_space<hbm>>
      %dma_wait3A_34 = tpu.memref_squeeze %dma_wait3A_33 : memref<1x78x128xi32, #tpu.memory_space<hbm>> -> memref<78x128xi32, #tpu.memory_space<hbm>>
      %dma_wait3A_35 = arith.constant 0 : i32
      %dma_wait3A_36 = arith.constant 0 : i32
      %dma_wait3A_37 = tpu.memref_slice %arg3[%add3A, %dma_wait3A_35, %dma_wait3A_36] : memref<32x78x128xi32, #tpu.memory_space<hbm>> -> memref<1x78x128xi32, #tpu.memory_space<hbm>>
      %dma_wait3A_38 = tpu.memref_squeeze %dma_wait3A_37 : memref<1x78x128xi32, #tpu.memory_space<hbm>> -> memref<78x128xi32, #tpu.memory_space<hbm>>
      tpu.wait_dma2 semaphore(%run_scoped3A : memref<!tpu.dma_semaphore, #tpu.memory_space<semaphore_mem>>) src(%dma_wait3A_38 : memref<78x128xi32, #tpu.memory_space<hbm>>) dst(%arg9 : memref<78x128xi32, #tpu.memory_space<vmem>>)
      tpu.yield
    }) : () -> ()
    "tpu.region"() ({
      %run_scoped3A = tpu.sem_alloc : memref<!tpu.dma_semaphore, #tpu.memory_space<semaphore_mem>>
      %dma_start3A_23 = arith.constant 0 : i32
      %dma_start3A_24 = arith.constant 0 : i32
      %dma_start3A_25 = tpu.memref_slice %arg4[%add3A, %dma_start3A_23, %dma_start3A_24] : memref<32x78x128xi32, #tpu.memory_space<hbm>> -> memref<1x78x128xi32, #tpu.memory_space<hbm>>
      %dma_start3A_26 = tpu.memref_squeeze %dma_start3A_25 : memref<1x78x128xi32, #tpu.memory_space<hbm>> -> memref<78x128xi32, #tpu.memory_space<hbm>>
      %dma_start3A_27 = arith.constant 0 : i32
      %dma_start3A_28 = arith.constant 0 : i32
      %dma_start3A_29 = tpu.memref_slice %arg4[%add3A, %dma_start3A_27, %dma_start3A_28] : memref<32x78x128xi32, #tpu.memory_space<hbm>> -> memref<1x78x128xi32, #tpu.memory_space<hbm>>
      %dma_start3A_30 = tpu.memref_squeeze %dma_start3A_29 : memref<1x78x128xi32, #tpu.memory_space<hbm>> -> memref<78x128xi32, #tpu.memory_space<hbm>>
      tpu.enqueue_dma source(%dma_start3A_30 : memref<78x128xi32, #tpu.memory_space<hbm>>) target(%arg10 : memref<78x128xi32, #tpu.memory_space<vmem>>) target_semaphore(%run_scoped3A : memref<!tpu.dma_semaphore, #tpu.memory_space<semaphore_mem>>)
      %dma_wait3A_31 = arith.constant 0 : i32
      %dma_wait3A_32 = arith.constant 0 : i32
      %dma_wait3A_33 = tpu.memref_slice %arg4[%add3A, %dma_wait3A_31, %dma_wait3A_32] : memref<32x78x128xi32, #tpu.memory_space<hbm>> -> memref<1x78x128xi32, #tpu.memory_space<hbm>>
      %dma_wait3A_34 = tpu.memref_squeeze %dma_wait3A_33 : memref<1x78x128xi32, #tpu.memory_space<hbm>> -> memref<78x128xi32, #tpu.memory_space<hbm>>
      %dma_wait3A_35 = arith.constant 0 : i32
      %dma_wait3A_36 = arith.constant 0 : i32
      %dma_wait3A_37 = tpu.memref_slice %arg4[%add3A, %dma_wait3A_35, %dma_wait3A_36] : memref<32x78x128xi32, #tpu.memory_space<hbm>> -> memref<1x78x128xi32, #tpu.memory_space<hbm>>
      %dma_wait3A_38 = tpu.memref_squeeze %dma_wait3A_37 : memref<1x78x128xi32, #tpu.memory_space<hbm>> -> memref<78x128xi32, #tpu.memory_space<hbm>>
      tpu.wait_dma2 semaphore(%run_scoped3A : memref<!tpu.dma_semaphore, #tpu.memory_space<semaphore_mem>>) src(%dma_wait3A_38 : memref<78x128xi32, #tpu.memory_space<hbm>>) dst(%arg10 : memref<78x128xi32, #tpu.memory_space<vmem>>)
      tpu.yield
    }) : () -> ()
    "tpu.region"() ({
      %run_scoped3A = tpu.sem_alloc : memref<!tpu.dma_semaphore, #tpu.memory_space<semaphore_mem>>
      %dma_start3A_23 = arith.constant 0 : i32
      %dma_start3A_24 = tpu.memref_slice %arg5[%add3A, %dma_start3A_23] : memref<32x16xi32, #tpu.memory_space<hbm>> -> memref<1x16xi32, #tpu.memory_space<hbm>>
      %dma_start3A_25 = tpu.memref_squeeze %dma_start3A_24 : memref<1x16xi32, #tpu.memory_space<hbm>> -> memref<16xi32, #tpu.memory_space<hbm>>
      %dma_start3A_26 = arith.constant 0 : i32
      %dma_start3A_27 = tpu.memref_slice %arg5[%add3A, %dma_start3A_26] : memref<32x16xi32, #tpu.memory_space<hbm>> -> memref<1x16xi32, #tpu.memory_space<hbm>>
      %dma_start3A_28 = tpu.memref_squeeze %dma_start3A_27 : memref<1x16xi32, #tpu.memory_space<hbm>> -> memref<16xi32, #tpu.memory_space<hbm>>
      tpu.enqueue_dma source(%dma_start3A_28 : memref<16xi32, #tpu.memory_space<hbm>>) target(%arg11 : memref<16xi32, #tpu.memory_space<vmem>>) target_semaphore(%run_scoped3A : memref<!tpu.dma_semaphore, #tpu.memory_space<semaphore_mem>>)
      %dma_wait3A_29 = arith.constant 0 : i32
      %dma_wait3A_30 = tpu.memref_slice %arg5[%add3A, %dma_wait3A_29] : memref<32x16xi32, #tpu.memory_space<hbm>> -> memref<1x16xi32, #tpu.memory_space<hbm>>
      %dma_wait3A_31 = tpu.memref_squeeze %dma_wait3A_30 : memref<1x16xi32, #tpu.memory_space<hbm>> -> memref<16xi32, #tpu.memory_space<hbm>>
      %dma_wait3A_32 = arith.constant 0 : i32
      %dma_wait3A_33 = tpu.memref_slice %arg5[%add3A, %dma_wait3A_32] : memref<32x16xi32, #tpu.memory_space<hbm>> -> memref<1x16xi32, #tpu.memory_space<hbm>>
      %dma_wait3A_34 = tpu.memref_squeeze %dma_wait3A_33 : memref<1x16xi32, #tpu.memory_space<hbm>> -> memref<16xi32, #tpu.memory_space<hbm>>
      tpu.wait_dma2 semaphore(%run_scoped3A : memref<!tpu.dma_semaphore, #tpu.memory_space<semaphore_mem>>) src(%dma_wait3A_34 : memref<16xi32, #tpu.memory_space<hbm>>) dst(%arg11 : memref<16xi32, #tpu.memory_space<vmem>>)
      tpu.yield
    }) : () -> ()
    "tpu.region"() ({
      %run_scoped3A = tpu.sem_alloc : memref<!tpu.dma_semaphore, #tpu.memory_space<semaphore_mem>>
      %dma_start3A_23 = arith.constant 0 : i32
      %dma_start3A_24 = tpu.memref_slice %arg6[%add3A, %dma_start3A_23] : memref<32x16xi32, #tpu.memory_space<hbm>> -> memref<1x16xi32, #tpu.memory_space<hbm>>
      %dma_start3A_25 = tpu.memref_squeeze %dma_start3A_24 : memref<1x16xi32, #tpu.memory_space<hbm>> -> memref<16xi32, #tpu.memory_space<hbm>>
      %dma_start3A_26 = arith.constant 0 : i32
      %dma_start3A_27 = tpu.memref_slice %arg6[%add3A, %dma_start3A_26] : memref<32x16xi32, #tpu.memory_space<hbm>> -> memref<1x16xi32, #tpu.memory_space<hbm>>
      %dma_start3A_28 = tpu.memref_squeeze %dma_start3A_27 : memref<1x16xi32, #tpu.memory_space<hbm>> -> memref<16xi32, #tpu.memory_space<hbm>>
      tpu.enqueue_dma source(%dma_start3A_28 : memref<16xi32, #tpu.memory_space<hbm>>) target(%arg12 : memref<16xi32, #tpu.memory_space<vmem>>) target_semaphore(%run_scoped3A : memref<!tpu.dma_semaphore, #tpu.memory_space<semaphore_mem>>)
      %dma_wait3A_29 = arith.constant 0 : i32
      %dma_wait3A_30 = tpu.memref_slice %arg6[%add3A, %dma_wait3A_29] : memref<32x16xi32, #tpu.memory_space<hbm>> -> memref<1x16xi32, #tpu.memory_space<hbm>>
      %dma_wait3A_31 = tpu.memref_squeeze %dma_wait3A_30 : memref<1x16xi32, #tpu.memory_space<hbm>> -> memref<16xi32, #tpu.memory_space<hbm>>
      %dma_wait3A_32 = arith.constant 0 : i32
      %dma_wait3A_33 = tpu.memref_slice %arg6[%add3A, %dma_wait3A_32] : memref<32x16xi32, #tpu.memory_space<hbm>> -> memref<1x16xi32, #tpu.memory_space<hbm>>
      %dma_wait3A_34 = tpu.memref_squeeze %dma_wait3A_33 : memref<1x16xi32, #tpu.memory_space<hbm>> -> memref<16xi32, #tpu.memory_space<hbm>>
      tpu.wait_dma2 semaphore(%run_scoped3A : memref<!tpu.dma_semaphore, #tpu.memory_space<semaphore_mem>>) src(%dma_wait3A_34 : memref<16xi32, #tpu.memory_space<hbm>>) dst(%arg12 : memref<16xi32, #tpu.memory_space<vmem>>)
      tpu.yield
    }) : () -> ()
    %mul3A_1 = arith.constant 640 : i32
    %mul3A_2 = arith.muli %arg1, %mul3A_1 : i32
    "tpu.region"() ({
      %run_scoped3A = tpu.sem_alloc : memref<!tpu.dma_semaphore, #tpu.memory_space<semaphore_mem>>
      %dma_start3A_23 = arith.constant 0 : i32
      %dma_start3A_24 = tpu.memref_slice %arg14[%mul3A_2, %dma_start3A_23] : memref<10240x128xf32, #tpu.memory_space<vmem_shared>> -> memref<640x128xf32, #tpu.memory_space<vmem_shared>>
      tpu.enqueue_dma source(%arg7 : memref<640x128xf32, #tpu.memory_space<hbm>>) target(%dma_start3A_24 : memref<640x128xf32, #tpu.memory_space<vmem_shared>>) target_semaphore(%run_scoped3A : memref<!tpu.dma_semaphore, #tpu.memory_space<semaphore_mem>>)
      %dma_wait3A_25 = arith.constant 0 : i32
      %dma_wait3A_26 = tpu.memref_slice %arg14[%mul3A_2, %dma_wait3A_25] : memref<10240x128xf32, #tpu.memory_space<vmem_shared>> -> memref<640x128xf32, #tpu.memory_space<vmem_shared>>
      tpu.wait_dma2 semaphore(%run_scoped3A : memref<!tpu.dma_semaphore, #tpu.memory_space<semaphore_mem>>) src(%arg7 : memref<640x128xf32, #tpu.memory_space<hbm>>) dst(%dma_wait3A_26 : memref<640x128xf32, #tpu.memory_space<vmem_shared>>)
      tpu.yield
    }) : () -> ()
    %barrier3A = arith.constant 0 : index
    tpu.barrier barrier_id(%barrier3A)
    %scan3A = arith.constant 0 : i32
    %scan3A_3 = arith.constant 0 : i32
    %scan3A_4 = arith.constant 78 : i32
    %scan3A_5 = arith.addi %scan3A_3, %scan3A_4 : i32
    %scan3A_6 = arith.constant 1 : i32
    scf.for %scan3A_23 = %scan3A_3 to %scan3A_5 step %scan3A_6  : i32 {
      %dma_start3A_24 = arith.constant 0 : i32
      %dma_start3A_25 = tpu.memref_slice %arg9[%scan3A_23, %dma_start3A_24] : memref<78x128xi32, #tpu.memory_space<vmem>> -> memref<1x128xi32, #tpu.memory_space<vmem>>
      %dma_start3A_26 = tpu.memref_squeeze %dma_start3A_25 : memref<1x128xi32, #tpu.memory_space<vmem>> -> memref<128xi32, #tpu.memory_space<vmem>>
      %dma_start3A_27 = arith.constant 0 : i32
      %dma_start3A_28 = arith.constant 0 : i32
      %dma_start3A_29 = tpu.memref_slice %arg2[%dma_start3A_27, %dma_start3A_28] : memref<10240x128xf32, #tpu.memory_space<hbm>> -> memref<10240x128xf32, #tpu.memory_space<hbm>>
      tpu.enqueue_indirect_dma source(%dma_start3A_29 : memref<10240x128xf32, #tpu.memory_space<hbm>>) target(%arg13 : memref<128x128xf32, #tpu.memory_space<vmem>>) offsets(%dma_start3A_26 : memref<128xi32, #tpu.memory_space<vmem>>) semaphore(%arg15 : memref<!tpu.dma_semaphore, #tpu.memory_space<semaphore_mem>>)
      %dma_wait3A_30 = arith.constant 0 : i32
      %dma_wait3A_31 = tpu.memref_slice %arg9[%scan3A_23, %dma_wait3A_30] : memref<78x128xi32, #tpu.memory_space<vmem>> -> memref<1x128xi32, #tpu.memory_space<vmem>>
      %dma_wait3A_32 = tpu.memref_squeeze %dma_wait3A_31 : memref<1x128xi32, #tpu.memory_space<vmem>> -> memref<128xi32, #tpu.memory_space<vmem>>
      %dma_wait3A_33 = arith.constant 0 : i32
      %dma_wait3A_34 = arith.constant 0 : i32
      %dma_wait3A_35 = tpu.memref_slice %arg2[%dma_wait3A_33, %dma_wait3A_34] : memref<10240x128xf32, #tpu.memory_space<hbm>> -> memref<10240x128xf32, #tpu.memory_space<hbm>>
      tpu.wait_indirect_dma semaphore(%arg15 : memref<!tpu.dma_semaphore, #tpu.memory_space<semaphore_mem>>) src(%dma_wait3A_35 : memref<10240x128xf32, #tpu.memory_space<hbm>>) dst(%arg13 : memref<128x128xf32, #tpu.memory_space<vmem>>)
      "tpu.region"() ({
        %run_scoped3A = tpu.sem_alloc : memref<!tpu.dma_semaphore, #tpu.memory_space<semaphore_mem>>
        %dma_start3A_36 = arith.constant 0 : i32
        %dma_start3A_37 = tpu.memref_slice %arg10[%scan3A_23, %dma_start3A_36] : memref<78x128xi32, #tpu.memory_space<vmem>> -> memref<1x128xi32, #tpu.memory_space<vmem>>
        %dma_start3A_38 = tpu.memref_squeeze %dma_start3A_37 : memref<1x128xi32, #tpu.memory_space<vmem>> -> memref<128xi32, #tpu.memory_space<vmem>>
        %dma_start3A_39 = arith.constant 0 : i32
        %dma_start3A_40 = arith.constant 0 : i32
        %dma_start3A_41 = tpu.memref_slice %arg14[%dma_start3A_39, %dma_start3A_40] : memref<10240x128xf32, #tpu.memory_space<vmem_shared>> -> memref<10240x128xf32, #tpu.memory_space<vmem_shared>>
        tpu.enqueue_indirect_dma source(%arg13 : memref<128x128xf32, #tpu.memory_space<vmem>>) target(%dma_start3A_41 : memref<10240x128xf32, #tpu.memory_space<vmem_shared>>) offsets(%dma_start3A_38 : memref<128xi32, #tpu.memory_space<vmem>>) semaphore(%run_scoped3A : memref<!tpu.dma_semaphore, #tpu.memory_space<semaphore_mem>>) {add = true}
        %dma_wait3A_42 = arith.constant 0 : i32
        %dma_wait3A_43 = tpu.memref_slice %arg10[%scan3A_23, %dma_wait3A_42] : memref<78x128xi32, #tpu.memory_space<vmem>> -> memref<1x128xi32, #tpu.memory_space<vmem>>
        %dma_wait3A_44 = tpu.memref_squeeze %dma_wait3A_43 : memref<1x128xi32, #tpu.memory_space<vmem>> -> memref<128xi32, #tpu.memory_space<vmem>>
        %dma_wait3A_45 = arith.constant 0 : i32
        %dma_wait3A_46 = arith.constant 0 : i32
        %dma_wait3A_47 = tpu.memref_slice %arg14[%dma_wait3A_45, %dma_wait3A_46] : memref<10240x128xf32, #tpu.memory_space<vmem_shared>> -> memref<10240x128xf32, #tpu.memory_space<vmem_shared>>
        tpu.wait_indirect_dma semaphore(%run_scoped3A : memref<!tpu.dma_semaphore, #tpu.memory_space<semaphore_mem>>) src(%arg13 : memref<128x128xf32, #tpu.memory_space<vmem>>) dst(%dma_wait3A_47 : memref<10240x128xf32, #tpu.memory_space<vmem_shared>>)
        tpu.yield
      }) : () -> ()
    }
    %scan3A_7 = arith.constant 78 : i32
    %dma_start3A = arith.constant 0 : i32
    %dma_start3A_8 = arith.constant 0 : i32
    %dma_start3A_9 = tpu.memref_slice %arg13[%dma_start3A, %dma_start3A_8] : memref<128x128xf32, #tpu.memory_space<vmem>> -> memref<16x128xf32, #tpu.memory_space<vmem>>
    %dma_start3A_10 = arith.constant 0 : i32
    %dma_start3A_11 = arith.constant 0 : i32
    %dma_start3A_12 = tpu.memref_slice %arg2[%dma_start3A_10, %dma_start3A_11] : memref<10240x128xf32, #tpu.memory_space<hbm>> -> memref<10240x128xf32, #tpu.memory_space<hbm>>
    tpu.enqueue_indirect_dma source(%dma_start3A_12 : memref<10240x128xf32, #tpu.memory_space<hbm>>) target(%dma_start3A_9 : memref<16x128xf32, #tpu.memory_space<vmem>>) offsets(%arg11 : memref<16xi32, #tpu.memory_space<vmem>>) semaphore(%arg15 : memref<!tpu.dma_semaphore, #tpu.memory_space<semaphore_mem>>)
    %dma_wait3A = arith.constant 0 : i32
    %dma_wait3A_13 = arith.constant 0 : i32
    %dma_wait3A_14 = tpu.memref_slice %arg13[%dma_wait3A, %dma_wait3A_13] : memref<128x128xf32, #tpu.memory_space<vmem>> -> memref<16x128xf32, #tpu.memory_space<vmem>>
    %dma_wait3A_15 = arith.constant 0 : i32
    %dma_wait3A_16 = arith.constant 0 : i32
    %dma_wait3A_17 = tpu.memref_slice %arg2[%dma_wait3A_15, %dma_wait3A_16] : memref<10240x128xf32, #tpu.memory_space<hbm>> -> memref<10240x128xf32, #tpu.memory_space<hbm>>
    tpu.wait_indirect_dma semaphore(%arg15 : memref<!tpu.dma_semaphore, #tpu.memory_space<semaphore_mem>>) src(%dma_wait3A_17 : memref<10240x128xf32, #tpu.memory_space<hbm>>) dst(%dma_wait3A_14 : memref<16x128xf32, #tpu.memory_space<vmem>>)
    "tpu.region"() ({
      %run_scoped3A = tpu.sem_alloc : memref<!tpu.dma_semaphore, #tpu.memory_space<semaphore_mem>>
      %dma_start3A_23 = arith.constant 0 : i32
      %dma_start3A_24 = arith.constant 0 : i32
      %dma_start3A_25 = tpu.memref_slice %arg13[%dma_start3A_23, %dma_start3A_24] : memref<128x128xf32, #tpu.memory_space<vmem>> -> memref<16x128xf32, #tpu.memory_space<vmem>>
      %dma_start3A_26 = arith.constant 0 : i32
      %dma_start3A_27 = arith.constant 0 : i32
      %dma_start3A_28 = tpu.memref_slice %arg14[%dma_start3A_26, %dma_start3A_27] : memref<10240x128xf32, #tpu.memory_space<vmem_shared>> -> memref<10240x128xf32, #tpu.memory_space<vmem_shared>>
      tpu.enqueue_indirect_dma source(%dma_start3A_25 : memref<16x128xf32, #tpu.memory_space<vmem>>) target(%dma_start3A_28 : memref<10240x128xf32, #tpu.memory_space<vmem_shared>>) offsets(%arg12 : memref<16xi32, #tpu.memory_space<vmem>>) semaphore(%run_scoped3A : memref<!tpu.dma_semaphore, #tpu.memory_space<semaphore_mem>>) {add = true}
      %dma_wait3A_29 = arith.constant 0 : i32
      %dma_wait3A_30 = arith.constant 0 : i32
      %dma_wait3A_31 = tpu.memref_slice %arg13[%dma_wait3A_29, %dma_wait3A_30] : memref<128x128xf32, #tpu.memory_space<vmem>> -> memref<16x128xf32, #tpu.memory_space<vmem>>
      %dma_wait3A_32 = arith.constant 0 : i32
      %dma_wait3A_33 = arith.constant 0 : i32
      %dma_wait3A_34 = tpu.memref_slice %arg14[%dma_wait3A_32, %dma_wait3A_33] : memref<10240x128xf32, #tpu.memory_space<vmem_shared>> -> memref<10240x128xf32, #tpu.memory_space<vmem_shared>>
      tpu.wait_indirect_dma semaphore(%run_scoped3A : memref<!tpu.dma_semaphore, #tpu.memory_space<semaphore_mem>>) src(%dma_wait3A_31 : memref<16x128xf32, #tpu.memory_space<vmem>>) dst(%dma_wait3A_34 : memref<10240x128xf32, #tpu.memory_space<vmem_shared>>)
      tpu.yield
    }) : () -> ()
    %barrier3A_18 = arith.constant 0 : index
    tpu.barrier barrier_id(%barrier3A_18)
    %mul3A_19 = arith.constant 640 : i32
    %mul3A_20 = arith.muli %arg1, %mul3A_19 : i32
    %mul3A_21 = arith.constant 640 : i32
    %mul3A_22 = arith.muli %arg1, %mul3A_21 : i32
    "tpu.region"() ({
      %run_scoped3A = tpu.sem_alloc : memref<!tpu.dma_semaphore, #tpu.memory_space<semaphore_mem>>
      %dma_start3A_23 = arith.constant 0 : i32
      %dma_start3A_24 = tpu.memref_slice %arg8[%arg0, %mul3A_22, %dma_start3A_23] : memref<2x10240x128xf32, #tpu.memory_space<hbm>> -> memref<1x640x128xf32, #tpu.memory_space<hbm>>
      %dma_start3A_25 = tpu.memref_squeeze %dma_start3A_24 : memref<1x640x128xf32, #tpu.memory_space<hbm>> -> memref<640x128xf32, #tpu.memory_space<hbm>>
      %dma_start3A_26 = arith.constant 0 : i32
      %dma_start3A_27 = tpu.memref_slice %arg14[%mul3A_20, %dma_start3A_26] : memref<10240x128xf32, #tpu.memory_space<vmem_shared>> -> memref<640x128xf32, #tpu.memory_space<vmem_shared>>
      tpu.enqueue_dma source(%dma_start3A_27 : memref<640x128xf32, #tpu.memory_space<vmem_shared>>) target(%dma_start3A_25 : memref<640x128xf32, #tpu.memory_space<hbm>>) target_semaphore(%run_scoped3A : memref<!tpu.dma_semaphore, #tpu.memory_space<semaphore_mem>>)
      %dma_wait3A_28 = arith.constant 0 : i32
      %dma_wait3A_29 = tpu.memref_slice %arg8[%arg0, %mul3A_22, %dma_wait3A_28] : memref<2x10240x128xf32, #tpu.memory_space<hbm>> -> memref<1x640x128xf32, #tpu.memory_space<hbm>>
      %dma_wait3A_30 = tpu.memref_squeeze %dma_wait3A_29 : memref<1x640x128xf32, #tpu.memory_space<hbm>> -> memref<640x128xf32, #tpu.memory_space<hbm>>
      %dma_wait3A_31 = arith.constant 0 : i32
      %dma_wait3A_32 = tpu.memref_slice %arg14[%mul3A_20, %dma_wait3A_31] : memref<10240x128xf32, #tpu.memory_space<vmem_shared>> -> memref<640x128xf32, #tpu.memory_space<vmem_shared>>
      tpu.wait_dma2 semaphore(%run_scoped3A : memref<!tpu.dma_semaphore, #tpu.memory_space<semaphore_mem>>) src(%dma_wait3A_32 : memref<640x128xf32, #tpu.memory_space<vmem_shared>>) dst(%dma_wait3A_30 : memref<640x128xf32, #tpu.memory_space<hbm>>)
      tpu.yield
    }) : () -> ()
    return
  }
}

#map = affine_map<(d0, d1) -> (0, 0)>
#map1 = affine_map<(d0, d1) -> (0, 0, 0)>
module attributes {stable_mosaic.version = 14 : i64} {
  func.func @_sc_aggregate(%arg0: i32, %arg1: i32, %arg2: memref<10240x128xf32, #tpu.memory_space<hbm>>, %arg3: memref<32x78x128xi32, #tpu.memory_space<hbm>>, %arg4: memref<32x78x128xi32, #tpu.memory_space<hbm>>, %arg5: memref<32x16xi32, #tpu.memory_space<hbm>>, %arg6: memref<32x16xi32, #tpu.memory_space<hbm>>, %arg7: memref<640x128xf32, #tpu.memory_space<hbm>>, %arg8: memref<2x10240x128xf32, #tpu.memory_space<hbm>>, %arg9: memref<78x128xi32, #tpu.memory_space<vmem>>, %arg10: memref<78x128xi32, #tpu.memory_space<vmem>>, %arg11: memref<16xi32, #tpu.memory_space<vmem>>, %arg12: memref<16xi32, #tpu.memory_space<vmem>>, %arg13: memref<128x128xf32, #tpu.memory_space<vmem>>, %arg14: memref<10240x128xf32, #tpu.memory_space<vmem_shared>>, %arg15: memref<!tpu.dma_semaphore, #tpu.memory_space<semaphore_mem>>) attributes {dimension_semantics = [#tpu.dimension_semantics<core_parallel>, #tpu.dimension_semantics<subcore_parallel>], iteration_bounds = array<i64: 2, 16>, scalar_prefetch = 0 : i64, scratch_operands = 7 : i64, tpu.core_type = #tpu.core_type<sc_vector_subcore>, window_params = [{transform_indices = #map}, {transform_indices = #map1}, {transform_indices = #map1}, {transform_indices = #map}, {transform_indices = #map}, {transform_indices = #map}, {transform_indices = #map1}]} {
    %mul3A = arith.constant 16 : i32
    %mul3A_0 = arith.muli %arg0, %mul3A : i32
    %add3A = arith.addi %mul3A_0, %arg1 : i32
    "tpu.region"() ({
      %run_scoped3A = tpu.sem_alloc : memref<!tpu.dma_semaphore, #tpu.memory_space<semaphore_mem>>
      %dma_start3A_23 = arith.constant 0 : i32
      %dma_start3A_24 = arith.constant 0 : i32
      %dma_start3A_25 = tpu.memref_slice %arg3[%add3A, %dma_start3A_23, %dma_start3A_24] : memref<32x78x128xi32, #tpu.memory_space<hbm>> -> memref<1x78x128xi32, #tpu.memory_space<hbm>>
      %dma_start3A_26 = tpu.memref_squeeze %dma_start3A_25 : memref<1x78x128xi32, #tpu.memory_space<hbm>> -> memref<78x128xi32, #tpu.memory_space<hbm>>
      %dma_start3A_27 = arith.constant 0 : i32
      %dma_start3A_28 = arith.constant 0 : i32
      %dma_start3A_29 = tpu.memref_slice %arg3[%add3A, %dma_start3A_27, %dma_start3A_28] : memref<32x78x128xi32, #tpu.memory_space<hbm>> -> memref<1x78x128xi32, #tpu.memory_space<hbm>>
      %dma_start3A_30 = tpu.memref_squeeze %dma_start3A_29 : memref<1x78x128xi32, #tpu.memory_space<hbm>> -> memref<78x128xi32, #tpu.memory_space<hbm>>
      tpu.enqueue_dma source(%dma_start3A_30 : memref<78x128xi32, #tpu.memory_space<hbm>>) target(%arg9 : memref<78x128xi32, #tpu.memory_space<vmem>>) target_semaphore(%run_scoped3A : memref<!tpu.dma_semaphore, #tpu.memory_space<semaphore_mem>>)
      %dma_wait3A_31 = arith.constant 0 : i32
      %dma_wait3A_32 = arith.constant 0 : i32
      %dma_wait3A_33 = tpu.memref_slice %arg3[%add3A, %dma_wait3A_31, %dma_wait3A_32] : memref<32x78x128xi32, #tpu.memory_space<hbm>> -> memref<1x78x128xi32, #tpu.memory_space<hbm>>
      %dma_wait3A_34 = tpu.memref_squeeze %dma_wait3A_33 : memref<1x78x128xi32, #tpu.memory_space<hbm>> -> memref<78x128xi32, #tpu.memory_space<hbm>>
      %dma_wait3A_35 = arith.constant 0 : i32
      %dma_wait3A_36 = arith.constant 0 : i32
      %dma_wait3A_37 = tpu.memref_slice %arg3[%add3A, %dma_wait3A_35, %dma_wait3A_36] : memref<32x78x128xi32, #tpu.memory_space<hbm>> -> memref<1x78x128xi32, #tpu.memory_space<hbm>>
      %dma_wait3A_38 = tpu.memref_squeeze %dma_wait3A_37 : memref<1x78x128xi32, #tpu.memory_space<hbm>> -> memref<78x128xi32, #tpu.memory_space<hbm>>
      tpu.wait_dma2 semaphore(%run_scoped3A : memref<!tpu.dma_semaphore, #tpu.memory_space<semaphore_mem>>) src(%dma_wait3A_38 : memref<78x128xi32, #tpu.memory_space<hbm>>) dst(%arg9 : memref<78x128xi32, #tpu.memory_space<vmem>>)
      tpu.yield
    }) : () -> ()
    "tpu.region"() ({
      %run_scoped3A = tpu.sem_alloc : memref<!tpu.dma_semaphore, #tpu.memory_space<semaphore_mem>>
      %dma_start3A_23 = arith.constant 0 : i32
      %dma_start3A_24 = arith.constant 0 : i32
      %dma_start3A_25 = tpu.memref_slice %arg4[%add3A, %dma_start3A_23, %dma_start3A_24] : memref<32x78x128xi32, #tpu.memory_space<hbm>> -> memref<1x78x128xi32, #tpu.memory_space<hbm>>
      %dma_start3A_26 = tpu.memref_squeeze %dma_start3A_25 : memref<1x78x128xi32, #tpu.memory_space<hbm>> -> memref<78x128xi32, #tpu.memory_space<hbm>>
      %dma_start3A_27 = arith.constant 0 : i32
      %dma_start3A_28 = arith.constant 0 : i32
      %dma_start3A_29 = tpu.memref_slice %arg4[%add3A, %dma_start3A_27, %dma_start3A_28] : memref<32x78x128xi32, #tpu.memory_space<hbm>> -> memref<1x78x128xi32, #tpu.memory_space<hbm>>
      %dma_start3A_30 = tpu.memref_squeeze %dma_start3A_29 : memref<1x78x128xi32, #tpu.memory_space<hbm>> -> memref<78x128xi32, #tpu.memory_space<hbm>>
      tpu.enqueue_dma source(%dma_start3A_30 : memref<78x128xi32, #tpu.memory_space<hbm>>) target(%arg10 : memref<78x128xi32, #tpu.memory_space<vmem>>) target_semaphore(%run_scoped3A : memref<!tpu.dma_semaphore, #tpu.memory_space<semaphore_mem>>)
      %dma_wait3A_31 = arith.constant 0 : i32
      %dma_wait3A_32 = arith.constant 0 : i32
      %dma_wait3A_33 = tpu.memref_slice %arg4[%add3A, %dma_wait3A_31, %dma_wait3A_32] : memref<32x78x128xi32, #tpu.memory_space<hbm>> -> memref<1x78x128xi32, #tpu.memory_space<hbm>>
      %dma_wait3A_34 = tpu.memref_squeeze %dma_wait3A_33 : memref<1x78x128xi32, #tpu.memory_space<hbm>> -> memref<78x128xi32, #tpu.memory_space<hbm>>
      %dma_wait3A_35 = arith.constant 0 : i32
      %dma_wait3A_36 = arith.constant 0 : i32
      %dma_wait3A_37 = tpu.memref_slice %arg4[%add3A, %dma_wait3A_35, %dma_wait3A_36] : memref<32x78x128xi32, #tpu.memory_space<hbm>> -> memref<1x78x128xi32, #tpu.memory_space<hbm>>
      %dma_wait3A_38 = tpu.memref_squeeze %dma_wait3A_37 : memref<1x78x128xi32, #tpu.memory_space<hbm>> -> memref<78x128xi32, #tpu.memory_space<hbm>>
      tpu.wait_dma2 semaphore(%run_scoped3A : memref<!tpu.dma_semaphore, #tpu.memory_space<semaphore_mem>>) src(%dma_wait3A_38 : memref<78x128xi32, #tpu.memory_space<hbm>>) dst(%arg10 : memref<78x128xi32, #tpu.memory_space<vmem>>)
      tpu.yield
    }) : () -> ()
    "tpu.region"() ({
      %run_scoped3A = tpu.sem_alloc : memref<!tpu.dma_semaphore, #tpu.memory_space<semaphore_mem>>
      %dma_start3A_23 = arith.constant 0 : i32
      %dma_start3A_24 = tpu.memref_slice %arg5[%add3A, %dma_start3A_23] : memref<32x16xi32, #tpu.memory_space<hbm>> -> memref<1x16xi32, #tpu.memory_space<hbm>>
      %dma_start3A_25 = tpu.memref_squeeze %dma_start3A_24 : memref<1x16xi32, #tpu.memory_space<hbm>> -> memref<16xi32, #tpu.memory_space<hbm>>
      %dma_start3A_26 = arith.constant 0 : i32
      %dma_start3A_27 = tpu.memref_slice %arg5[%add3A, %dma_start3A_26] : memref<32x16xi32, #tpu.memory_space<hbm>> -> memref<1x16xi32, #tpu.memory_space<hbm>>
      %dma_start3A_28 = tpu.memref_squeeze %dma_start3A_27 : memref<1x16xi32, #tpu.memory_space<hbm>> -> memref<16xi32, #tpu.memory_space<hbm>>
      tpu.enqueue_dma source(%dma_start3A_28 : memref<16xi32, #tpu.memory_space<hbm>>) target(%arg11 : memref<16xi32, #tpu.memory_space<vmem>>) target_semaphore(%run_scoped3A : memref<!tpu.dma_semaphore, #tpu.memory_space<semaphore_mem>>)
      %dma_wait3A_29 = arith.constant 0 : i32
      %dma_wait3A_30 = tpu.memref_slice %arg5[%add3A, %dma_wait3A_29] : memref<32x16xi32, #tpu.memory_space<hbm>> -> memref<1x16xi32, #tpu.memory_space<hbm>>
      %dma_wait3A_31 = tpu.memref_squeeze %dma_wait3A_30 : memref<1x16xi32, #tpu.memory_space<hbm>> -> memref<16xi32, #tpu.memory_space<hbm>>
      %dma_wait3A_32 = arith.constant 0 : i32
      %dma_wait3A_33 = tpu.memref_slice %arg5[%add3A, %dma_wait3A_32] : memref<32x16xi32, #tpu.memory_space<hbm>> -> memref<1x16xi32, #tpu.memory_space<hbm>>
      %dma_wait3A_34 = tpu.memref_squeeze %dma_wait3A_33 : memref<1x16xi32, #tpu.memory_space<hbm>> -> memref<16xi32, #tpu.memory_space<hbm>>
      tpu.wait_dma2 semaphore(%run_scoped3A : memref<!tpu.dma_semaphore, #tpu.memory_space<semaphore_mem>>) src(%dma_wait3A_34 : memref<16xi32, #tpu.memory_space<hbm>>) dst(%arg11 : memref<16xi32, #tpu.memory_space<vmem>>)
      tpu.yield
    }) : () -> ()
    "tpu.region"() ({
      %run_scoped3A = tpu.sem_alloc : memref<!tpu.dma_semaphore, #tpu.memory_space<semaphore_mem>>
      %dma_start3A_23 = arith.constant 0 : i32
      %dma_start3A_24 = tpu.memref_slice %arg6[%add3A, %dma_start3A_23] : memref<32x16xi32, #tpu.memory_space<hbm>> -> memref<1x16xi32, #tpu.memory_space<hbm>>
      %dma_start3A_25 = tpu.memref_squeeze %dma_start3A_24 : memref<1x16xi32, #tpu.memory_space<hbm>> -> memref<16xi32, #tpu.memory_space<hbm>>
      %dma_start3A_26 = arith.constant 0 : i32
      %dma_start3A_27 = tpu.memref_slice %arg6[%add3A, %dma_start3A_26] : memref<32x16xi32, #tpu.memory_space<hbm>> -> memref<1x16xi32, #tpu.memory_space<hbm>>
      %dma_start3A_28 = tpu.memref_squeeze %dma_start3A_27 : memref<1x16xi32, #tpu.memory_space<hbm>> -> memref<16xi32, #tpu.memory_space<hbm>>
      tpu.enqueue_dma source(%dma_start3A_28 : memref<16xi32, #tpu.memory_space<hbm>>) target(%arg12 : memref<16xi32, #tpu.memory_space<vmem>>) target_semaphore(%run_scoped3A : memref<!tpu.dma_semaphore, #tpu.memory_space<semaphore_mem>>)
      %dma_wait3A_29 = arith.constant 0 : i32
      %dma_wait3A_30 = tpu.memref_slice %arg6[%add3A, %dma_wait3A_29] : memref<32x16xi32, #tpu.memory_space<hbm>> -> memref<1x16xi32, #tpu.memory_space<hbm>>
      %dma_wait3A_31 = tpu.memref_squeeze %dma_wait3A_30 : memref<1x16xi32, #tpu.memory_space<hbm>> -> memref<16xi32, #tpu.memory_space<hbm>>
      %dma_wait3A_32 = arith.constant 0 : i32
      %dma_wait3A_33 = tpu.memref_slice %arg6[%add3A, %dma_wait3A_32] : memref<32x16xi32, #tpu.memory_space<hbm>> -> memref<1x16xi32, #tpu.memory_space<hbm>>
      %dma_wait3A_34 = tpu.memref_squeeze %dma_wait3A_33 : memref<1x16xi32, #tpu.memory_space<hbm>> -> memref<16xi32, #tpu.memory_space<hbm>>
      tpu.wait_dma2 semaphore(%run_scoped3A : memref<!tpu.dma_semaphore, #tpu.memory_space<semaphore_mem>>) src(%dma_wait3A_34 : memref<16xi32, #tpu.memory_space<hbm>>) dst(%arg12 : memref<16xi32, #tpu.memory_space<vmem>>)
      tpu.yield
    }) : () -> ()
    %mul3A_1 = arith.constant 640 : i32
    %mul3A_2 = arith.muli %arg1, %mul3A_1 : i32
    "tpu.region"() ({
      %run_scoped3A = tpu.sem_alloc : memref<!tpu.dma_semaphore, #tpu.memory_space<semaphore_mem>>
      %dma_start3A_23 = arith.constant 0 : i32
      %dma_start3A_24 = tpu.memref_slice %arg14[%mul3A_2, %dma_start3A_23] : memref<10240x128xf32, #tpu.memory_space<vmem_shared>> -> memref<640x128xf32, #tpu.memory_space<vmem_shared>>
      tpu.enqueue_dma source(%arg7 : memref<640x128xf32, #tpu.memory_space<hbm>>) target(%dma_start3A_24 : memref<640x128xf32, #tpu.memory_space<vmem_shared>>) target_semaphore(%run_scoped3A : memref<!tpu.dma_semaphore, #tpu.memory_space<semaphore_mem>>)
      %dma_wait3A_25 = arith.constant 0 : i32
      %dma_wait3A_26 = tpu.memref_slice %arg14[%mul3A_2, %dma_wait3A_25] : memref<10240x128xf32, #tpu.memory_space<vmem_shared>> -> memref<640x128xf32, #tpu.memory_space<vmem_shared>>
      tpu.wait_dma2 semaphore(%run_scoped3A : memref<!tpu.dma_semaphore, #tpu.memory_space<semaphore_mem>>) src(%arg7 : memref<640x128xf32, #tpu.memory_space<hbm>>) dst(%dma_wait3A_26 : memref<640x128xf32, #tpu.memory_space<vmem_shared>>)
      tpu.yield
    }) : () -> ()
    %barrier3A = arith.constant 0 : index
    tpu.barrier barrier_id(%barrier3A)
    %scan3A = arith.constant 0 : i32
    %scan3A_3 = arith.constant 0 : i32
    %scan3A_4 = arith.constant 78 : i32
    %scan3A_5 = arith.addi %scan3A_3, %scan3A_4 : i32
    %scan3A_6 = arith.constant 1 : i32
    scf.for %scan3A_23 = %scan3A_3 to %scan3A_5 step %scan3A_6  : i32 {
      %dma_start3A_24 = arith.constant 0 : i32
      %dma_start3A_25 = tpu.memref_slice %arg9[%scan3A_23, %dma_start3A_24] : memref<78x128xi32, #tpu.memory_space<vmem>> -> memref<1x128xi32, #tpu.memory_space<vmem>>
      %dma_start3A_26 = tpu.memref_squeeze %dma_start3A_25 : memref<1x128xi32, #tpu.memory_space<vmem>> -> memref<128xi32, #tpu.memory_space<vmem>>
      %dma_start3A_27 = arith.constant 0 : i32
      %dma_start3A_28 = arith.constant 0 : i32
      %dma_start3A_29 = tpu.memref_slice %arg2[%dma_start3A_27, %dma_start3A_28] : memref<10240x128xf32, #tpu.memory_space<hbm>> -> memref<10240x128xf32, #tpu.memory_space<hbm>>
      tpu.enqueue_indirect_dma source(%dma_start3A_29 : memref<10240x128xf32, #tpu.memory_space<hbm>>) target(%arg13 : memref<128x128xf32, #tpu.memory_space<vmem>>) offsets(%dma_start3A_26 : memref<128xi32, #tpu.memory_space<vmem>>) semaphore(%arg15 : memref<!tpu.dma_semaphore, #tpu.memory_space<semaphore_mem>>)
      %dma_wait3A_30 = arith.constant 0 : i32
      %dma_wait3A_31 = tpu.memref_slice %arg9[%scan3A_23, %dma_wait3A_30] : memref<78x128xi32, #tpu.memory_space<vmem>> -> memref<1x128xi32, #tpu.memory_space<vmem>>
      %dma_wait3A_32 = tpu.memref_squeeze %dma_wait3A_31 : memref<1x128xi32, #tpu.memory_space<vmem>> -> memref<128xi32, #tpu.memory_space<vmem>>
      %dma_wait3A_33 = arith.constant 0 : i32
      %dma_wait3A_34 = arith.constant 0 : i32
      %dma_wait3A_35 = tpu.memref_slice %arg2[%dma_wait3A_33, %dma_wait3A_34] : memref<10240x128xf32, #tpu.memory_space<hbm>> -> memref<10240x128xf32, #tpu.memory_space<hbm>>
      tpu.wait_indirect_dma semaphore(%arg15 : memref<!tpu.dma_semaphore, #tpu.memory_space<semaphore_mem>>) src(%dma_wait3A_35 : memref<10240x128xf32, #tpu.memory_space<hbm>>) dst(%arg13 : memref<128x128xf32, #tpu.memory_space<vmem>>)
      "tpu.region"() ({
        %run_scoped3A = tpu.sem_alloc : memref<!tpu.dma_semaphore, #tpu.memory_space<semaphore_mem>>
        %dma_start3A_36 = arith.constant 0 : i32
        %dma_start3A_37 = tpu.memref_slice %arg10[%scan3A_23, %dma_start3A_36] : memref<78x128xi32, #tpu.memory_space<vmem>> -> memref<1x128xi32, #tpu.memory_space<vmem>>
        %dma_start3A_38 = tpu.memref_squeeze %dma_start3A_37 : memref<1x128xi32, #tpu.memory_space<vmem>> -> memref<128xi32, #tpu.memory_space<vmem>>
        %dma_start3A_39 = arith.constant 0 : i32
        %dma_start3A_40 = arith.constant 0 : i32
        %dma_start3A_41 = tpu.memref_slice %arg14[%dma_start3A_39, %dma_start3A_40] : memref<10240x128xf32, #tpu.memory_space<vmem_shared>> -> memref<10240x128xf32, #tpu.memory_space<vmem_shared>>
        tpu.enqueue_indirect_dma source(%arg13 : memref<128x128xf32, #tpu.memory_space<vmem>>) target(%dma_start3A_41 : memref<10240x128xf32, #tpu.memory_space<vmem_shared>>) offsets(%dma_start3A_38 : memref<128xi32, #tpu.memory_space<vmem>>) semaphore(%run_scoped3A : memref<!tpu.dma_semaphore, #tpu.memory_space<semaphore_mem>>) {add = true}
        %dma_wait3A_42 = arith.constant 0 : i32
        %dma_wait3A_43 = tpu.memref_slice %arg10[%scan3A_23, %dma_wait3A_42] : memref<78x128xi32, #tpu.memory_space<vmem>> -> memref<1x128xi32, #tpu.memory_space<vmem>>
        %dma_wait3A_44 = tpu.memref_squeeze %dma_wait3A_43 : memref<1x128xi32, #tpu.memory_space<vmem>> -> memref<128xi32, #tpu.memory_space<vmem>>
        %dma_wait3A_45 = arith.constant 0 : i32
        %dma_wait3A_46 = arith.constant 0 : i32
        %dma_wait3A_47 = tpu.memref_slice %arg14[%dma_wait3A_45, %dma_wait3A_46] : memref<10240x128xf32, #tpu.memory_space<vmem_shared>> -> memref<10240x128xf32, #tpu.memory_space<vmem_shared>>
        tpu.wait_indirect_dma semaphore(%run_scoped3A : memref<!tpu.dma_semaphore, #tpu.memory_space<semaphore_mem>>) src(%arg13 : memref<128x128xf32, #tpu.memory_space<vmem>>) dst(%dma_wait3A_47 : memref<10240x128xf32, #tpu.memory_space<vmem_shared>>)
        tpu.yield
      }) : () -> ()
    }
    %scan3A_7 = arith.constant 78 : i32
    %dma_start3A = arith.constant 0 : i32
    %dma_start3A_8 = arith.constant 0 : i32
    %dma_start3A_9 = tpu.memref_slice %arg13[%dma_start3A, %dma_start3A_8] : memref<128x128xf32, #tpu.memory_space<vmem>> -> memref<16x128xf32, #tpu.memory_space<vmem>>
    %dma_start3A_10 = arith.constant 0 : i32
    %dma_start3A_11 = arith.constant 0 : i32
    %dma_start3A_12 = tpu.memref_slice %arg2[%dma_start3A_10, %dma_start3A_11] : memref<10240x128xf32, #tpu.memory_space<hbm>> -> memref<10240x128xf32, #tpu.memory_space<hbm>>
    tpu.enqueue_indirect_dma source(%dma_start3A_12 : memref<10240x128xf32, #tpu.memory_space<hbm>>) target(%dma_start3A_9 : memref<16x128xf32, #tpu.memory_space<vmem>>) offsets(%arg11 : memref<16xi32, #tpu.memory_space<vmem>>) semaphore(%arg15 : memref<!tpu.dma_semaphore, #tpu.memory_space<semaphore_mem>>)
    %dma_wait3A = arith.constant 0 : i32
    %dma_wait3A_13 = arith.constant 0 : i32
    %dma_wait3A_14 = tpu.memref_slice %arg13[%dma_wait3A, %dma_wait3A_13] : memref<128x128xf32, #tpu.memory_space<vmem>> -> memref<16x128xf32, #tpu.memory_space<vmem>>
    %dma_wait3A_15 = arith.constant 0 : i32
    %dma_wait3A_16 = arith.constant 0 : i32
    %dma_wait3A_17 = tpu.memref_slice %arg2[%dma_wait3A_15, %dma_wait3A_16] : memref<10240x128xf32, #tpu.memory_space<hbm>> -> memref<10240x128xf32, #tpu.memory_space<hbm>>
    tpu.wait_indirect_dma semaphore(%arg15 : memref<!tpu.dma_semaphore, #tpu.memory_space<semaphore_mem>>) src(%dma_wait3A_17 : memref<10240x128xf32, #tpu.memory_space<hbm>>) dst(%dma_wait3A_14 : memref<16x128xf32, #tpu.memory_space<vmem>>)
    "tpu.region"() ({
      %run_scoped3A = tpu.sem_alloc : memref<!tpu.dma_semaphore, #tpu.memory_space<semaphore_mem>>
      %dma_start3A_23 = arith.constant 0 : i32
      %dma_start3A_24 = arith.constant 0 : i32
      %dma_start3A_25 = tpu.memref_slice %arg13[%dma_start3A_23, %dma_start3A_24] : memref<128x128xf32, #tpu.memory_space<vmem>> -> memref<16x128xf32, #tpu.memory_space<vmem>>
      %dma_start3A_26 = arith.constant 0 : i32
      %dma_start3A_27 = arith.constant 0 : i32
      %dma_start3A_28 = tpu.memref_slice %arg14[%dma_start3A_26, %dma_start3A_27] : memref<10240x128xf32, #tpu.memory_space<vmem_shared>> -> memref<10240x128xf32, #tpu.memory_space<vmem_shared>>
      tpu.enqueue_indirect_dma source(%dma_start3A_25 : memref<16x128xf32, #tpu.memory_space<vmem>>) target(%dma_start3A_28 : memref<10240x128xf32, #tpu.memory_space<vmem_shared>>) offsets(%arg12 : memref<16xi32, #tpu.memory_space<vmem>>) semaphore(%run_scoped3A : memref<!tpu.dma_semaphore, #tpu.memory_space<semaphore_mem>>) {add = true}
      %dma_wait3A_29 = arith.constant 0 : i32
      %dma_wait3A_30 = arith.constant 0 : i32
      %dma_wait3A_31 = tpu.memref_slice %arg13[%dma_wait3A_29, %dma_wait3A_30] : memref<128x128xf32, #tpu.memory_space<vmem>> -> memref<16x128xf32, #tpu.memory_space<vmem>>
      %dma_wait3A_32 = arith.constant 0 : i32
      %dma_wait3A_33 = arith.constant 0 : i32
      %dma_wait3A_34 = tpu.memref_slice %arg14[%dma_wait3A_32, %dma_wait3A_33] : memref<10240x128xf32, #tpu.memory_space<vmem_shared>> -> memref<10240x128xf32, #tpu.memory_space<vmem_shared>>
      tpu.wait_indirect_dma semaphore(%run_scoped3A : memref<!tpu.dma_semaphore, #tpu.memory_space<semaphore_mem>>) src(%dma_wait3A_31 : memref<16x128xf32, #tpu.memory_space<vmem>>) dst(%dma_wait3A_34 : memref<10240x128xf32, #tpu.memory_space<vmem_shared>>)
      tpu.yield
    }) : () -> ()
    %barrier3A_18 = arith.constant 0 : index
    tpu.barrier barrier_id(%barrier3A_18)
    %mul3A_19 = arith.constant 640 : i32
    %mul3A_20 = arith.muli %arg1, %mul3A_19 : i32
    %mul3A_21 = arith.constant 640 : i32
    %mul3A_22 = arith.muli %arg1, %mul3A_21 : i32
    "tpu.region"() ({
      %run_scoped3A = tpu.sem_alloc : memref<!tpu.dma_semaphore, #tpu.memory_space<semaphore_mem>>
      %dma_start3A_23 = arith.constant 0 : i32
      %dma_start3A_24 = tpu.memref_slice %arg8[%arg0, %mul3A_22, %dma_start3A_23] : memref<2x10240x128xf32, #tpu.memory_space<hbm>> -> memref<1x640x128xf32, #tpu.memory_space<hbm>>
      %dma_start3A_25 = tpu.memref_squeeze %dma_start3A_24 : memref<1x640x128xf32, #tpu.memory_space<hbm>> -> memref<640x128xf32, #tpu.memory_space<hbm>>
      %dma_start3A_26 = arith.constant 0 : i32
      %dma_start3A_27 = tpu.memref_slice %arg14[%mul3A_20, %dma_start3A_26] : memref<10240x128xf32, #tpu.memory_space<vmem_shared>> -> memref<640x128xf32, #tpu.memory_space<vmem_shared>>
      tpu.enqueue_dma source(%dma_start3A_27 : memref<640x128xf32, #tpu.memory_space<vmem_shared>>) target(%dma_start3A_25 : memref<640x128xf32, #tpu.memory_space<hbm>>) target_semaphore(%run_scoped3A : memref<!tpu.dma_semaphore, #tpu.memory_space<semaphore_mem>>)
      %dma_wait3A_28 = arith.constant 0 : i32
      %dma_wait3A_29 = tpu.memref_slice %arg8[%arg0, %mul3A_22, %dma_wait3A_28] : memref<2x10240x128xf32, #tpu.memory_space<hbm>> -> memref<1x640x128xf32, #tpu.memory_space<hbm>>
      %dma_wait3A_30 = tpu.memref_squeeze %dma_wait3A_29 : memref<1x640x128xf32, #tpu.memory_space<hbm>> -> memref<640x128xf32, #tpu.memory_space<hbm>>
      %dma_wait3A_31 = arith.constant 0 : i32
      %dma_wait3A_32 = tpu.memref_slice %arg14[%mul3A_20, %dma_wait3A_31] : memref<10240x128xf32, #tpu.memory_space<vmem_shared>> -> memref<640x128xf32, #tpu.memory_space<vmem_shared>>
      tpu.wait_dma2 semaphore(%run_scoped3A : memref<!tpu.dma_semaphore, #tpu.memory_space<semaphore_mem>>) src(%dma_wait3A_32 : memref<640x128xf32, #tpu.memory_space<vmem_shared>>) dst(%dma_wait3A_30 : memref<640x128xf32, #tpu.memory_space<hbm>>)
      tpu.yield
    }) : () -> ()
    return
  }
}

module attributes {stable_mosaic.version = 14 : i64} {
  func.func @_m1_body(%arg0: i32, %arg1: memref<512x128xf32, #tpu.memory_space<vmem>>, %arg2: memref<128x128xf32, #tpu.memory_space<vmem>>, %arg3: memref<2x512x1xf32, #tpu.memory_space<vmem>>, %arg4: memref<512x128xf32, #tpu.memory_space<vmem>>, %arg5: memref<512x1xf32, #tpu.memory_space<vmem>>) attributes {dimension_semantics = [#tpu.dimension_semantics<arbitrary>], iteration_bounds = array<i64: 20>, scalar_prefetch = 0 : i64, scratch_operands = 0 : i64, tpu.core_type = #tpu.core_type<tc>, window_params = [{transform_indices = @transform_0, window_bounds = array<i64: 512, 128>}, {pipeline_mode = #tpu.pipeline_mode<synchronous>, transform_indices = @transform_1, window_bounds = array<i64: 128, 128>}, {transform_indices = @transform_2, window_bounds = array<i64: 2, 512, 1>}, {transform_indices = @transform_3, window_bounds = array<i64: 512, 128>}, {transform_indices = @transform_4, window_bounds = array<i64: 512, 1>}]} {
    %get3A = arith.constant 0 : index
    %get3A_0 = arith.constant 0 : index
    %get3A_1 = arith.constant 0 : index
    %get3A_2 = vector.load %arg3[%get3A, %get3A_0, %get3A_1] : memref<2x512x1xf32, #tpu.memory_space<vmem>>, vector<2x512x1xf32>
    %slice3A = vector.extract_strided_slice %get3A_2 {offsets = [0, 0, 0], sizes = [1, 512, 1], strides = [1, 1, 1]} : vector<2x512x1xf32> to vector<1x512x1xf32>
    %squeeze3A = vector.shape_cast %slice3A : vector<1x512x1xf32> to vector<512x1xf32>
    %slice3A_3 = vector.extract_strided_slice %get3A_2 {offsets = [1, 0, 0], sizes = [1, 512, 1], strides = [1, 1, 1]} : vector<2x512x1xf32> to vector<1x512x1xf32>
    %squeeze3A_4 = vector.shape_cast %slice3A_3 : vector<1x512x1xf32> to vector<512x1xf32>
    %add3A = arith.addf %squeeze3A, %squeeze3A_4 : vector<512x1xf32>
    %add3A_5 = arith.constant 1.000000e+00 : f32
    %add3A_6 = vector.broadcast %add3A_5 : f32 to vector<512x1xf32>
    %add3A_7 = arith.addf %add3A, %add3A_6 : vector<512x1xf32>
    %rsqrt3A = math.rsqrt %add3A_7 : vector<512x1xf32>
    %get3A_8 = arith.constant 0 : index
    %get3A_9 = arith.constant 0 : index
    %get3A_10 = vector.load %arg1[%get3A_8, %get3A_9] : memref<512x128xf32, #tpu.memory_space<vmem>>, vector<512x128xf32>
    %get3A_11 = arith.constant 0 : index
    %get3A_12 = arith.constant 0 : index
    %get3A_13 = vector.load %arg2[%get3A_11, %get3A_12] : memref<128x128xf32, #tpu.memory_space<vmem>>, vector<128x128xf32>
    %dot_general3A = arith.constant dense<0.000000e+00> : vector<512x128xf32>
    %dot_general3A_14 = tpu.matmul %get3A_10, %get3A_13, %dot_general3A {dimension_numbers = #tpu.dot_dimension_numbers<[1], [0], [0], [1], [0, 0, 1, 1], [], []>, transpose_lhs_hint = false} : vector<512x128xf32>, vector<128x128xf32>, vector<512x128xf32> -> vector<512x128xf32>
    %mul3A = vector.broadcast %rsqrt3A : vector<512x1xf32> to vector<512x128xf32>
    %mul3A_15 = arith.mulf %dot_general3A_14, %mul3A : vector<512x128xf32>
    %swap3A = arith.constant 0 : index
    %swap3A_16 = arith.constant 0 : index
    %swap3A_17 = vector.load %arg4[%swap3A, %swap3A_16] : memref<512x128xf32, #tpu.memory_space<vmem>>, vector<512x128xf32>
    tpu.vector_store %arg4[%swap3A, %swap3A_16], %mul3A_15 {strides = array<i32>} : memref<512x128xf32, #tpu.memory_space<vmem>>, vector<512x128xf32>,
    %swap3A_18 = arith.constant 0 : index
    %swap3A_19 = arith.constant 0 : index
    %swap3A_20 = vector.load %arg5[%swap3A_18, %swap3A_19] : memref<512x1xf32, #tpu.memory_space<vmem>>, vector<512x1xf32>
    tpu.vector_store %arg5[%swap3A_18, %swap3A_19], %rsqrt3A {strides = array<i32>} : memref<512x1xf32, #tpu.memory_space<vmem>>, vector<512x1xf32>,
    return
  }
  func.func @transform_0(%arg0: i32) -> (i32, i32) {
    %c0_i32 = arith.constant 0 : i32
    %c0_i32_0 = arith.constant 0 : i32
    return %arg0, %c0_i32 : i32, i32
  }
  func.func @transform_1(%arg0: i32) -> (i32, i32) {
    %c0_i32 = arith.constant 0 : i32
    %c0_i32_0 = arith.constant 0 : i32
    %c0_i32_1 = arith.constant 0 : i32
    return %c0_i32, %c0_i32_0 : i32, i32
  }
  func.func @transform_2(%arg0: i32) -> (i32, i32, i32) {
    %c0_i32 = arith.constant 0 : i32
    %c0_i32_0 = arith.constant 0 : i32
    %c0_i32_1 = arith.constant 0 : i32
    return %c0_i32, %arg0, %c0_i32_0 : i32, i32, i32
  }
  func.func @transform_3(%arg0: i32) -> (i32, i32) {
    %c0_i32 = arith.constant 0 : i32
    %c0_i32_0 = arith.constant 0 : i32
    return %arg0, %c0_i32 : i32, i32
  }
  func.func @transform_4(%arg0: i32) -> (i32, i32) {
    %c0_i32 = arith.constant 0 : i32
    %c0_i32_0 = arith.constant 0 : i32
    return %arg0, %c0_i32 : i32, i32
  }
}

module attributes {stable_mosaic.version = 14 : i64} {
  func.func @_m2_body(%arg0: i32, %arg1: memref<2x512x128xf32, #tpu.memory_space<vmem>>, %arg2: memref<512x128xf32, #tpu.memory_space<vmem>>, %arg3: memref<512x1xf32, #tpu.memory_space<vmem>>, %arg4: memref<1x128xf32, #tpu.memory_space<vmem>>, %arg5: memref<128x128xf32, #tpu.memory_space<vmem>>, %arg6: memref<512x128xf32, #tpu.memory_space<vmem>>) attributes {dimension_semantics = [#tpu.dimension_semantics<arbitrary>], iteration_bounds = array<i64: 20>, scalar_prefetch = 0 : i64, scratch_operands = 0 : i64, tpu.core_type = #tpu.core_type<tc>, window_params = [{transform_indices = @transform_0, window_bounds = array<i64: 2, 512, 128>}, {transform_indices = @transform_1, window_bounds = array<i64: 512, 128>}, {transform_indices = @transform_2, window_bounds = array<i64: 512, 1>}, {pipeline_mode = #tpu.pipeline_mode<synchronous>, transform_indices = @transform_3, window_bounds = array<i64: 1, 128>}, {pipeline_mode = #tpu.pipeline_mode<synchronous>, transform_indices = @transform_4, window_bounds = array<i64: 128, 128>}, {transform_indices = @transform_5, window_bounds = array<i64: 512, 128>}]} {
    %get3A = arith.constant 0 : index
    %get3A_0 = arith.constant 0 : index
    %get3A_1 = arith.constant 0 : index
    %get3A_2 = vector.load %arg1[%get3A, %get3A_0, %get3A_1] : memref<2x512x128xf32, #tpu.memory_space<vmem>>, vector<2x512x128xf32>
    %get3A_3 = arith.constant 0 : index
    %get3A_4 = arith.constant 0 : index
    %get3A_5 = vector.load %arg3[%get3A_3, %get3A_4] : memref<512x1xf32, #tpu.memory_space<vmem>>, vector<512x1xf32>
    %slice3A = vector.extract_strided_slice %get3A_2 {offsets = [0, 0, 0], sizes = [1, 512, 128], strides = [1, 1, 1]} : vector<2x512x128xf32> to vector<1x512x128xf32>
    %squeeze3A = vector.shape_cast %slice3A : vector<1x512x128xf32> to vector<512x128xf32>
    %slice3A_6 = vector.extract_strided_slice %get3A_2 {offsets = [1, 0, 0], sizes = [1, 512, 128], strides = [1, 1, 1]} : vector<2x512x128xf32> to vector<1x512x128xf32>
    %squeeze3A_7 = vector.shape_cast %slice3A_6 : vector<1x512x128xf32> to vector<512x128xf32>
    %add3A = arith.addf %squeeze3A, %squeeze3A_7 : vector<512x128xf32>
    %get3A_8 = arith.constant 0 : index
    %get3A_9 = arith.constant 0 : index
    %get3A_10 = vector.load %arg2[%get3A_8, %get3A_9] : memref<512x128xf32, #tpu.memory_space<vmem>>, vector<512x128xf32>
    %add3A_11 = arith.addf %add3A, %get3A_10 : vector<512x128xf32>
    %mul3A = vector.broadcast %get3A_5 : vector<512x1xf32> to vector<512x128xf32>
    %mul3A_12 = arith.mulf %add3A_11, %mul3A : vector<512x128xf32>
    %get3A_13 = arith.constant 0 : index
    %get3A_14 = arith.constant 0 : index
    %get3A_15 = vector.load %arg4[%get3A_13, %get3A_14] : memref<1x128xf32, #tpu.memory_space<vmem>>, vector<1x128xf32>
    %add3A_16 = vector.broadcast %get3A_15 : vector<1x128xf32> to vector<512x128xf32>
    %add3A_17 = arith.addf %mul3A_12, %add3A_16 : vector<512x128xf32>
    %max3A = arith.constant 0.000000e+00 : f32
    %max3A_18 = vector.broadcast %max3A : f32 to vector<512x128xf32>
    %max3A_19 = arith.maximumf %add3A_17, %max3A_18 : vector<512x128xf32>
    %get3A_20 = arith.constant 0 : index
    %get3A_21 = arith.constant 0 : index
    %get3A_22 = vector.load %arg5[%get3A_20, %get3A_21] : memref<128x128xf32, #tpu.memory_space<vmem>>, vector<128x128xf32>
    %dot_general3A = arith.constant dense<0.000000e+00> : vector<512x128xf32>
    %dot_general3A_23 = tpu.matmul %max3A_19, %get3A_22, %dot_general3A {dimension_numbers = #tpu.dot_dimension_numbers<[1], [0], [0], [1], [0, 0, 1, 1], [], []>, transpose_lhs_hint = false} : vector<512x128xf32>, vector<128x128xf32>, vector<512x128xf32> -> vector<512x128xf32>
    %iota3A = tpu.iota {dimensions = array<i32: 0>} : vector<512x1xi32>
    %mul3A_24 = arith.constant 512 : i32
    %mul3A_25 = arith.muli %arg0, %mul3A_24 : i32
    %add3A_26 = vector.broadcast %mul3A_25 : i32 to vector<512x1xi32>
    %add3A_27 = arith.addi %iota3A, %add3A_26 : vector<512x1xi32>
    %lt3A = arith.constant 10000 : i32
    %lt3A_28 = vector.broadcast %lt3A : i32 to vector<512x1xi32>
    %lt3A_29 = arith.cmpi slt, %add3A_27, %lt3A_28 : vector<512x1xi32>
    %convert_element_type3A = arith.extui %lt3A_29 : vector<512x1xi1> to vector<512x1xi32>
    %convert_element_type3A_30 = arith.sitofp %convert_element_type3A : vector<512x1xi32> to vector<512x1xf32>
    %mul3A_31 = vector.broadcast %get3A_5 : vector<512x1xf32> to vector<512x128xf32>
    %mul3A_32 = arith.mulf %dot_general3A_23, %mul3A_31 : vector<512x128xf32>
    %mul3A_33 = vector.broadcast %convert_element_type3A_30 : vector<512x1xf32> to vector<512x128xf32>
    %mul3A_34 = arith.mulf %mul3A_32, %mul3A_33 : vector<512x128xf32>
    %swap3A = arith.constant 0 : index
    %swap3A_35 = arith.constant 0 : index
    %swap3A_36 = vector.load %arg6[%swap3A, %swap3A_35] : memref<512x128xf32, #tpu.memory_space<vmem>>, vector<512x128xf32>
    tpu.vector_store %arg6[%swap3A, %swap3A_35], %mul3A_34 {strides = array<i32>} : memref<512x128xf32, #tpu.memory_space<vmem>>, vector<512x128xf32>,
    return
  }
  func.func @transform_0(%arg0: i32) -> (i32, i32, i32) {
    %c0_i32 = arith.constant 0 : i32
    %c0_i32_0 = arith.constant 0 : i32
    %c0_i32_1 = arith.constant 0 : i32
    return %c0_i32, %arg0, %c0_i32_0 : i32, i32, i32
  }
  func.func @transform_1(%arg0: i32) -> (i32, i32) {
    %c0_i32 = arith.constant 0 : i32
    %c0_i32_0 = arith.constant 0 : i32
    return %arg0, %c0_i32 : i32, i32
  }
  func.func @transform_2(%arg0: i32) -> (i32, i32) {
    %c0_i32 = arith.constant 0 : i32
    %c0_i32_0 = arith.constant 0 : i32
    return %arg0, %c0_i32 : i32, i32
  }
  func.func @transform_3(%arg0: i32) -> (i32, i32) {
    %c0_i32 = arith.constant 0 : i32
    %c0_i32_0 = arith.constant 0 : i32
    %c0_i32_1 = arith.constant 0 : i32
    return %c0_i32, %c0_i32_0 : i32, i32
  }
  func.func @transform_4(%arg0: i32) -> (i32, i32) {
    %c0_i32 = arith.constant 0 : i32
    %c0_i32_0 = arith.constant 0 : i32
    %c0_i32_1 = arith.constant 0 : i32
    return %c0_i32, %c0_i32_0 : i32, i32
  }
  func.func @transform_5(%arg0: i32) -> (i32, i32) {
    %c0_i32 = arith.constant 0 : i32
    %c0_i32_0 = arith.constant 0 : i32
    return %arg0, %c0_i32 : i32, i32
  }
}

module attributes {stable_mosaic.version = 14 : i64} {
  func.func @_m3_body(%arg0: i32, %arg1: memref<2x512x128xf32, #tpu.memory_space<vmem>>, %arg2: memref<512x128xf32, #tpu.memory_space<vmem>>, %arg3: memref<512x1xf32, #tpu.memory_space<vmem>>, %arg4: memref<1x128xf32, #tpu.memory_space<vmem>>, %arg5: memref<512x128xf32, #tpu.memory_space<vmem>>) attributes {dimension_semantics = [#tpu.dimension_semantics<arbitrary>], iteration_bounds = array<i64: 20>, scalar_prefetch = 0 : i64, scratch_operands = 0 : i64, tpu.core_type = #tpu.core_type<tc>, window_params = [{transform_indices = @transform_0, window_bounds = array<i64: 2, 512, 128>}, {transform_indices = @transform_1, window_bounds = array<i64: 512, 128>}, {transform_indices = @transform_2, window_bounds = array<i64: 512, 1>}, {pipeline_mode = #tpu.pipeline_mode<synchronous>, transform_indices = @transform_3, window_bounds = array<i64: 1, 128>}, {transform_indices = @transform_4, window_bounds = array<i64: 512, 128>}]} {
    %get3A = arith.constant 0 : index
    %get3A_0 = arith.constant 0 : index
    %get3A_1 = arith.constant 0 : index
    %get3A_2 = vector.load %arg1[%get3A, %get3A_0, %get3A_1] : memref<2x512x128xf32, #tpu.memory_space<vmem>>, vector<2x512x128xf32>
    %slice3A = vector.extract_strided_slice %get3A_2 {offsets = [0, 0, 0], sizes = [1, 512, 128], strides = [1, 1, 1]} : vector<2x512x128xf32> to vector<1x512x128xf32>
    %squeeze3A = vector.shape_cast %slice3A : vector<1x512x128xf32> to vector<512x128xf32>
    %slice3A_3 = vector.extract_strided_slice %get3A_2 {offsets = [1, 0, 0], sizes = [1, 512, 128], strides = [1, 1, 1]} : vector<2x512x128xf32> to vector<1x512x128xf32>
    %squeeze3A_4 = vector.shape_cast %slice3A_3 : vector<1x512x128xf32> to vector<512x128xf32>
    %add3A = arith.addf %squeeze3A, %squeeze3A_4 : vector<512x128xf32>
    %get3A_5 = arith.constant 0 : index
    %get3A_6 = arith.constant 0 : index
    %get3A_7 = vector.load %arg2[%get3A_5, %get3A_6] : memref<512x128xf32, #tpu.memory_space<vmem>>, vector<512x128xf32>
    %add3A_8 = arith.addf %add3A, %get3A_7 : vector<512x128xf32>
    %get3A_9 = arith.constant 0 : index
    %get3A_10 = arith.constant 0 : index
    %get3A_11 = vector.load %arg3[%get3A_9, %get3A_10] : memref<512x1xf32, #tpu.memory_space<vmem>>, vector<512x1xf32>
    %mul3A = vector.broadcast %get3A_11 : vector<512x1xf32> to vector<512x128xf32>
    %mul3A_12 = arith.mulf %add3A_8, %mul3A : vector<512x128xf32>
    %get3A_13 = arith.constant 0 : index
    %get3A_14 = arith.constant 0 : index
    %get3A_15 = vector.load %arg4[%get3A_13, %get3A_14] : memref<1x128xf32, #tpu.memory_space<vmem>>, vector<1x128xf32>
    %add3A_16 = vector.broadcast %get3A_15 : vector<1x128xf32> to vector<512x128xf32>
    %add3A_17 = arith.addf %mul3A_12, %add3A_16 : vector<512x128xf32>
    %swap3A = arith.constant 0 : index
    %swap3A_18 = arith.constant 0 : index
    %swap3A_19 = vector.load %arg5[%swap3A, %swap3A_18] : memref<512x128xf32, #tpu.memory_space<vmem>>, vector<512x128xf32>
    tpu.vector_store %arg5[%swap3A, %swap3A_18], %add3A_17 {strides = array<i32>} : memref<512x128xf32, #tpu.memory_space<vmem>>, vector<512x128xf32>,
    return
  }
  func.func @transform_0(%arg0: i32) -> (i32, i32, i32) {
    %c0_i32 = arith.constant 0 : i32
    %c0_i32_0 = arith.constant 0 : i32
    %c0_i32_1 = arith.constant 0 : i32
    return %c0_i32, %arg0, %c0_i32_0 : i32, i32, i32
  }
  func.func @transform_1(%arg0: i32) -> (i32, i32) {
    %c0_i32 = arith.constant 0 : i32
    %c0_i32_0 = arith.constant 0 : i32
    return %arg0, %c0_i32 : i32, i32
  }
  func.func @transform_2(%arg0: i32) -> (i32, i32) {
    %c0_i32 = arith.constant 0 : i32
    %c0_i32_0 = arith.constant 0 : i32
    return %arg0, %c0_i32 : i32, i32
  }
  func.func @transform_3(%arg0: i32) -> (i32, i32) {
    %c0_i32 = arith.constant 0 : i32
    %c0_i32_0 = arith.constant 0 : i32
    %c0_i32_1 = arith.constant 0 : i32
    return %c0_i32, %c0_i32_0 : i32, i32
  }
  func.func @transform_4(%arg0: i32) -> (i32, i32) {
    %c0_i32 = arith.constant 0 : i32
    %c0_i32_0 = arith.constant 0 : i32
    return %arg0, %c0_i32 : i32, i32
  }
}

</mosaic_0001>

<sc_bundles>
// kernel: kernel.11.cloned.1.call-start
scs
__scs_entry_jumppad:
0x0: {  	(pc) =	sbr.rel $0x88, $3  }
0x1: {  	(tag) =	ssettag $0x0;
	lr =	simm.s32 $0x1  }
0x2: {  	[smem:$0x3F9B] =	sst lr;
	_ =	strace $0xD0000000  }
0x3: {  	_ = 	snop  }
0x4: {  	_ = 	snop  }
0x5: {  	_ = 	snop  }
0x6: {  	_ = 	snop  }
0x7: {  	_ = 	snop  }
__scs_overlays_trampoline_lowered:
0x8: {  	[smem:$0x3FAA] =	sst s0  }
0x9: {  	[smem:$0x3FAB] =	sst s1  }
0xa: {  	[smem:$0x3FAC] =	sst s2  }
0xb: {  	[smem:$0x3FAD] =	sst s3  }
0xc: {  	[smem:$0x3FAE] =	sst s4  }
0xd: {  	[smem:$0x3FAF] =	sst s5  }
0xe: {  	[smem:$0x3FB0] =	sst s6  }
0xf: {  	[smem:$0x3FB1] =	sst s7  }
0x10: {  	[smem:$0x3FB2] =	sst s8  }
0x11: {  	[smem:$0x3FB3] =	sst s9;
	s0 =	simm.s32 @!p0 $0x0  }
0x12: {  	s1 =	sld [smem:$0x3F99];
	s0 =	simm.s32 @p0 $0x1  }
0x13: {  	[smem:$0x3FB4] =	sst s0;
	s0 =	simm.s32 @!p1 $0x0  }
0x14: {  	s2 =	sld [smem:$0x3F98];
	s0 =	simm.s32 @p1 $0x1  }
0x15: {  	[smem:$0x3FB5] =	sst s0;
	s0 =	simm.s32 @!p2 $0x0  }
0x16: {  	s3 =	sld [smem:$0x3FDB];
	s0 =	simm.s32 @p2 $0x1  }
0x17: {  	s4 =	simm.s32 $0x1BF5;
	[smem:$0x3FB7] =	sst s0  }
0x18: {  	s0 =	sld [smem:$0x3F9A];
	_ =	swait.ge [sflag:s4], $0x0  }
0x19: {  	s7 =	sld [smem:$0x3F9B]  }
0x1a: {  	s8 =	sadd.s32 $0xFFFFE003, lr  }
0x1b: {  	s9 =	sadd.s32 $0xFFFFFEF7, lr;
	s5 =	simm.s32 $0xFFFFFFFF;
	p2 =	slt.u32 s8, $0xFFFFF086  }
0x1c: {  	p1 =	slt.u32 s9, $0xF7A;
	s5 =	simm.s32 @!p2 $0x0  }
0x1d: {  	s5 =	simm.s32 @p1 $0x1;
	p0 =	seq.s32 s7, s2  }
0x1e: {  	s7 =	smul.u32 @!p0 $0xF7A, s2;
	p2 =	seq.s32 @!p0 s5, $0x0  }
0x1f: {  	s9 =	smul.u32 $0xF7A, s1;
	s8 =	simm.s32 @!p0 $0x1BF5;
	p2 =	por !p2, p0  }
0x20: {  	[sflag:s8] =	ssyncset.s32 @!p0 $0xFFFFF086;
	s6 =	sadd.s32 @!p0 s3, s7;
	s7 =	simm.s32 @!p0 $0x108  }
0x21: {  	s3 =	sadd.s32 s3, s9;
	s6 =	sadd.s32 @!p0 $0x88, s6;
	s7 =	simm.s32 @p2 $0x1082  }
0x22: {  	[simem:s7], [sflag:s8] =	dma.local @!p0 [hbm:s6], $0xF7A  }
0x23: {  	s9 =	sor.u32 $0xD0000000, s2;
	s6 =	simm.s32 $0x108;
	_ =	swait.ge @!p0 [sflag:s8], $0x0  }
0x24: {  	s3 =	sadd.s32 $0x88, s3;
	s6 =	simm.s32 @!p1 $0x1082;
	[sflag:s4] =	ssyncset.s32 $0xFFFFF086  }
0x25: {  	[simem:s6], [sflag:s4] =	dma.local [hbm:s3], $0xF7A  }
0x26: {  	[smem:$0x3F9B] =	sst s1;
	(tag) =	ssettag s2;
	_ =	strace s9  }
0x27: {  	s1 =	sld [smem:$0x3FAB]  }
0x28: {  	s2 =	sld [smem:$0x3FAC]  }
0x29: {  	s4 =	sld [smem:$0x3FAE]  }
0x2a: {  	p0 =	seq.s32 s5, $0x0;
	s5 =	sld [smem:$0x3FAF]  }
0x2b: {  	s6 =	sld [smem:$0x3FB0]  }
0x2c: {  	s7 =	sld [smem:$0x3FB1]  }
0x2d: {  	s3 =	simm.s32 $0x108;
	s8 =	sld [smem:$0x3FB2]  }
0x2e: {  	s3 =	simm.s32 @!p0 $0x1082;
	s9 =	sld [smem:$0x3FB3]  }
0x2f: {  	lr =	sadd.s32 s0, s3;
	s0 =	sld [smem:$0x3FAA]  }
0x30: {  	s3 =	sld [smem:$0x3FAD]  }
0x31: {  	[smem:$0x3FB6] =	sst s10  }
0x32: {  	s10 =	sld [smem:$0x3FB4];
	_ =	sdelay $0x3  }
0x33: {  	p0 =	seq.s32 s10, $0x1;
	s10 =	sld [smem:$0x3FB6];
	_ =	sdelay $0x3  }
0x34: {  	[smem:$0x3FB6] =	sst s10  }
0x35: {  	s10 =	sld [smem:$0x3FB5];
	_ =	sdelay $0x3  }
0x36: {  	p1 =	seq.s32 s10, $0x1;
	s10 =	sld [smem:$0x3FB6];
	_ =	sdelay $0x3  }
0x37: {  	[smem:$0x3FB6] =	sst s10  }
0x38: {  	s10 =	sld [smem:$0x3FB7]  }
0x39: {  	_ = 	snop;
	(pc) =	sbr.ind lr, $3  }
0x3a: {  	_ = 	snop  }
0x3b: {  	_ = 	snop  }
0x3c: {  	p2 =	seq.s32 s10, $0x1;
	s10 =	sld [smem:$0x3FB6]  }
0x3d: {  	_ =	shalt  }
0x3e: {  	_ =	shalt  }
0x3f: {  	_ =	shalt  }
0x40: {  	_ =	shalt  }
0x41: {  	_ =	shalt  }
0x42: {  	_ =	shalt  }
0x43: {  	_ =	shalt  }
0x44: {  	_ =	shalt  }
0x45: {  	_ =	shalt  }
0x46: {  	_ =	shalt  }
0x47: {  	_ =	shalt  }
0x48: {  	_ =	shalt  }
0x49: {  	_ =	shalt  }
0x4a: {  	_ =	shalt  }
0x4b: {  	_ =	shalt  }
0x4c: {  	_ =	shalt  }
0x4d: {  	_ =	shalt  }
0x4e: {  	_ =	shalt  }
0x4f: {  	_ =	shalt  }
0x50: {  	_ =	shalt  }
0x51: {  	_ =	shalt  }
0x52: {  	_ =	shalt  }
0x53: {  	_ =	shalt  }
0x54: {  	_ =	shalt  }
0x55: {  	_ =	shalt  }
0x56: {  	_ =	shalt  }
0x57: {  	_ =	shalt  }
0x58: {  	_ =	shalt  }
0x59: {  	_ =	shalt  }
0x5a: {  	_ =	shalt  }
0x5b: {  	_ =	shalt  }
0x5c: {  	_ =	shalt  }
0x5d: {  	_ =	shalt  }
0x5e: {  	_ =	shalt  }
0x5f: {  	_ =	shalt  }
0x60: {  	_ =	shalt  }
0x61: {  	_ =	shalt  }
0x62: {  	_ =	shalt  }
0x63: {  	_ =	shalt  }
0x64: {  	_ =	shalt  }
0x65: {  	_ =	shalt  }
0x66: {  	_ =	shalt  }
0x67: {  	_ =	shalt  }
0x68: {  	_ =	shalt  }
0x69: {  	_ =	shalt  }
0x6a: {  	_ =	shalt  }
0x6b: {  	_ =	shalt  }
0x6c: {  	_ =	shalt  }
0x6d: {  	_ =	shalt  }
0x6e: {  	_ =	shalt  }
0x6f: {  	_ =	shalt  }
0x70: {  	_ =	shalt  }
0x71: {  	_ =	shalt  }
0x72: {  	_ =	shalt  }
0x73: {  	_ =	shalt  }
0x74: {  	_ =	shalt  }
0x75: {  	_ =	shalt  }
0x76: {  	_ =	shalt  }
0x77: {  	_ =	shalt  }
0x78: {  	_ =	shalt  }
0x79: {  	_ =	shalt  }
0x7a: {  	_ =	shalt  }
0x7b: {  	_ =	shalt  }
0x7c: {  	_ =	shalt  }
0x7d: {  	_ =	shalt  }
0x7e: {  	_ =	shalt  }
0x7f: {  	_ =	shalt  }
0x80: {  	_ =	shalt  }
0x81: {  	_ =	shalt  }
0x82: {  	_ =	shalt  }
0x83: {  	_ =	shalt  }
0x84: {  	_ =	shalt  }
0x85: {  	_ =	shalt  }
0x86: {  	_ =	shalt  }
0x87: {  	_ =	shalt  }
.Lfunc_end0:
.L_simem_size_0:
called_computation.1_lowered:
.L_overlay_start_0:
0x88: {  	s2 =	sld [smem:$0x3FD9]  }
0x89: {  	s3 =	sld [smem:$0x3FFE];
	_ =	sdelay $0x1  }
0x8a: {  	s1 =	srdreg.scid  }
0x8b: {  	s0 =	sand.u32 $0x1, s1  }
0x8c: {  	s17 =	sshll.u32 s0, $0xA;
	s2 =	sadd.s32 s3, s2  }
0x8d: {  	s2 =	sadd.s32 s2, s17  }
0x8e: {  	[smem:$0x3FC2] =	sst s2  }
0x8f: {  	_ = 	snop  }
0x90: {  	s2 =	sld [smem:$0x3FD0];
	(tm) =	ssettm $0x1  }
0x91: {  	s18 =	sld [smem:$0x3FFB];
	_ =	sdelay $0x3  }
0x92: {  	_ =	strace s18  }
0x93: {  	s3 =	sld [smem:$0x3FFC];
	_ =	sdelay $0x3  }
0x94: {  	_ =	strace s3  }
0x95: {  	s3 =	sld [smem:$0x3FFD];
	_ =	sdelay $0x3  }
0x96: {  	_ =	strace s3  }
0x97: {  	_ =	strace $0x8FFFFFFF  }
0x98: {  	s19 =	sld [smem:$0x3FDB];
	_ =	sdelay $0x1  }
0x99: {  	s4 =	simm.s32 $_scs_section_size  }
0x9a: {  	s5 =	simm.s32 $_size__tile_overlayer_lowered;
	s6 =	simm.s32 $_tile_overlayer_lowered  }
0x9b: {  	s22 =	simm.s32 $0x1BFF;
	s21 =	sshll.u32 s6, $0x1;
	s3 =	sadd.s32 s4, s19  }
0x9c: {  	s7 =	simm.s32 $0x0;
	s20 =	sshll.u32 s5, $0x1;
	s5 =	sadd.s32 s21, s3  }
0x9d: {  	[timem:s7], [sflag:s22] =	dma.local [hbm:s5], s20  }
0x9e: {  	_ =	swait.ge [sflag:s22], s20  }
0x9f: {  	s4 =	ssub.s32 $0x0, s20;
	[sflag:s22] =	ssyncset.done $0x0  }
0xa0: {  	[sflag:s22] =	ssyncadd.s32 s4;
	_ =	sdelay $0x1  }
0xa1: {  	s23 =	simm.s32 $0x1B8B  }
0xa2: {  	_ =	swait.ge [sflag:s23], $0x1  }
0xa3: {  	[sflag:s23] =	ssyncset.done $0x0  }
0xa4: {  	s25 =	simm.s32 $0x1B8E;
	s24 =	sld [smem:$0x3FFE];
	[sflag:s23] =	ssyncadd.s32 $0xFFFFFFFF  }
0xa5: {  	s26 =	simm.s32 $execute0_lowered;
	[smem:$0x3FD2] =	sst s25  }
0xa6: {  	s5 =	sshll.u32 s26, $0x1;
	_ =	strace $0x80000049;
	[dreg:$0x1] =	wrdreg $0xFFFFFFFF  }
0xa7: {  	s28 =	simm.s32 $_size_execute0_lowered;
	s3 =	sadd.s32 s3, s5;
	[dreg:$0x0] =	wrdreg $0x0  }
0xa8: {  	s5 =	sshll.u32 s28, $0x1;
	[dreg:$0x2] =	wrdreg s3  }
0xa9: {  	[dreg:$0x3] =	wrdreg s5  }
0xaa: {  	[dreg:$0x4] =	wrdreg $0xC0  }
0xab: {  	_ =	task [dreg:s7], $0x5FFFF  }
0xac: {  	[dreg:$0x1] =	wrdreg $0xFFFFFFFF  }
0xad: {  	[dreg:$0x0] =	wrdreg $0x60  }
0xae: {  	[dreg:$0x2] =	wrdreg s24  }
0xaf: {  	[dreg:$0x3] =	wrdreg s2  }
0xb0: {  	[dreg:$0x4] =	wrdreg $0x91000  }
0xb1: {  	[dreg:$0x5] =	wrdreg $0x9  }
0xb2: {  	_ =	task.clear_ibuf [dreg:s7], $0x6FFFF;
	_ =	strace $0x90000049  }
0xb3: {  	s29 =	simm.s32 $0x9;
	_ =	strace $0x8000004B  }
0xb4: {  	_ =	swait.ge [sflag:s29], $0x1  }
0xb5: {  	[sflag:s29] =	ssyncadd.s32 $0xFFFFFFFF  }
0xb6: {  	_ =	strace $0x9000004B  }
0xb7: {  	_ =	sfence  }
0xb8: {  	s30 =	sld [smem:$0x0];
	_ =	sdelay $0x2  }
0xb9: {  	s31 =	sshll.u32 s1, $0xD;
	s1 =	sshrl.u32 s1, $0x2  }
0xba: {  	s3 =	sand.u32 $0x4000, s31;
	s1 =	sadd.s32 s1, s30  }
0xbb: {  	s0 =	sor.u32 s3, s0;
	s1 =	sshll.u32 s1, $0x11  }
0xbc: {  	s0 =	sor.u32 s1, s0  }
0xbd: {  	s0 =	sadd.s32 $0x8F2B, s0  }
0xbe: {  	[sflag:s0] =	ssyncadd.remote.s32 $0x1  }
0xbf: {  	_ =	sfence.sel $0xFFFF  }
0xc0: {  	[dreg:$0x0] =	wrdreg $0xFFFFFFFF;
	(pc) =	sbr.abs _section_cstart, $3  }
0xc1: {  	[dreg:$0x1] =	wrdreg $0xFFFFFFFF  }
0xc2: {  	_ =	task.clear_ibuf [dreg:s7], $0x2FFFF;
	_ =	strace $0x9FFFFFFF  }
0xc3: {  	(tm) =	ssettm $0x7FFFFFFF  }
tec
execute0_lowered:
.L_overlay_start_1:
0x0: {  	(tag) =	ssettag $0x1  }
0x1: {  	s6 =	rddreg [dreg:$0x0]  }
0x2: {  	s0 =	srdreg.scid;
	s7 =	rddreg [dreg:$0x1]  }
0x3: {  	s2 =	rddreg [dreg:$0x2];
	s1 =	stileid.u32;
	s3 =	simm.s32 $0x0  }
0x4: {  	s15 =	simm.s32 $0x5080;
	s18 =	simm.s32 $0x80;
	s19 =	simm.s32 $0x5100  }
0x5: {  	s20 =	simm.s32 $0x1;
	s21 =	simm.s32 $0x10;
	s22 =	simm.s32 $0x0  }
0x6: {  	s8 =	sand.u32 $0x1, s0;
	s0 =	rddreg [dreg:$0x3];
	s12 =	smul.u32 $0x14000, s1  }
0x7: {  	[smem:$0x7FF] =	sst s3;
	s5 =	sshll.u32 s1, $0x4;
	s30 =	smul.u32 $0x50000, s1  }
0x8: {  	s16 =	sshll.u32 s1, $0x6;
	s4 =	sshll.u32 s8, $0x4;
	s10 =	smul.u32 $0x140000, s8  }
0x9: {  	s5 =	sand.u32 $0x70, s5;
	_ =	strace $0x8000004A;
	s8 =	ssub.s32 $0x2, s8  }
0xa: {  	s16 =	sor.u32 $0x1C02, s16;
	s4 =	sor.u32 s1, s4;
	s29 =	sshrl.u32 s8, $0x1  }
0xb: {  	s31 =	sshrl.u32 s30, $0x2;
	s9 =	smul.u32 $0x500, s4;
	s4 =	sshll.u32 s4, $0x4  }
0xc: {  	s10 =	sadd.s32 s12, s10;
	s14 =	ssub.s32 s8, s29;
	s17 =	sadd.s32 s31, s2  }
0xd: {  	s12 =	simm.s32 $0x2;
	s11 =	sand.u32 $0x180, s4;
	s4 =	sadd.s32 $0xDA00, s6  }
0xe: {  	s10 =	sshrl.u32 s10, $0x3;
	s17 =	sshrl.u32 s17, $0x3;
	s5 =	sor.u32 s5, s11  }
0xf: {  	s28 =	sadd.s32 s9, s6;
	s10 =	sadd.s32 s10, s6;
	s7 =	sadd.s32 s7, s9  }
0x10: {  	s11 =	smax.u32 s14, $0x1;
	s14 =	simm.s32 $0x5000;
	s13 =	sadd.s32 s5, s6  }
0x11: {  	s5 =	sadd.s32 $0x35A00, s6;
	s6 =	sadd.s32 $0x3A00, s28;
	s10 =	sadd.s32 $0x38200, s10  }
0x12: {  	s8 =	sadd.s32 $0x3800, s13;
	s9 =	sadd.s32 $0x2400, s13;
	s13 =	simm.s32 $0x2800  }
.LBB2_1:
0x13: {  	[tilespmem:s3], [sflag:$0x2] =	stream.linear.gather [hbm4b:s6+s3], $0x2700, $0x38;
	[tilespmem:$0x1D100] =	vst v63  }
0x14: {  	_ =	swait.ge [sflag:s12], $0x2700  }
0x15: {  	[sflag:s12] =	ssyncset.done $0x0  }
0x16: {  	[sflag:s12] =	ssyncadd.s32 $0xFFFFD900  }
0x17: {  	[tilespmem:s13], [sflag:$0x2] =	stream.linear.gather [hbm4b:s7+s3], $0x2700, $0x38;
	[tilespmem:$0x1D100] =	vst v63  }
0x18: {  	_ =	swait.ge [sflag:s12], $0x2700  }
0x19: {  	[sflag:s12] =	ssyncset.done $0x0  }
0x1a: {  	[sflag:s12] =	ssyncadd.s32 $0xFFFFD900  }
0x1b: {  	[tilespmem:s14], [sflag:$0x2] =	stream.linear.gather [hbm4b:s8+s3], $0x80, $0x38;
	[tilespmem:$0x1D100] =	vst v63  }
0x1c: {  	_ =	swait.ge [sflag:s12], $0x80  }
0x1d: {  	[sflag:s12] =	ssyncset.done $0x0  }
0x1e: {  	[sflag:s12] =	ssyncadd.s32 $0xFFFFFF80  }
0x1f: {  	[tilespmem:s15], [sflag:$0x2] =	stream.linear.gather [hbm4b:s9+s3], $0x80, $0x38;
	[tilespmem:$0x1D100] =	vst v63  }
0x20: {  	_ =	swait.ge [sflag:s12], $0x80  }
0x21: {  	[sflag:s12] =	ssyncset.done $0x0  }
0x22: {  	[sflag:s12] =	ssyncadd.s32 $0xFFFFFF80  }
0x23: {  	[spmem:s17], [sflag:s16] =	dma.local [hbm:s5], $0x2800  }
0x24: {  	_ =	swait.ge [sflag:s12], $0x2800  }
0x25: {  	[sflag:s12] =	ssyncset.done $0x0  }
0x26: {  	[sflag:s12] =	ssyncadd.s32 $0xFFFFD800  }
0x27: {  	s23 =	simm.s32 $0x0;
	[bflag:$0x0] =	sbarrier.arrive $0xFFFF  }
0x28: {  	[tilespmem:s19], [sflag:$0x1] =	stream.indirect.gather [hbm4b:s4+s18], $0x80, s23, s18, $0xb8;
	[tilespmem:$0x1D100] =	vst v63  }
0x29: {  	_ =	swait.ge [sflag:s20], $0x4000  }
0x2a: {  	[sflag:s20] =	ssyncset.done $0x0  }
0x2b: {  	s31 =	simm.s32 $0x2800;
	[sflag:s20] =	ssyncadd.s32 $0xFFFFC000  }
0x2c: {  	[spmem:s2] =	stream.indirect.scatter.add.f32 [tilespmem:s19], [sflag:$0x2], $0x80, s31, s18, $0xb8;
	[tilespmem:$0x1D100] =	vst v63  }
0x2d: {  	_ =	swait.ge [sflag:s12], $0x4000  }
0x2e: {  	s24 =	simm.s32 $0x400;
	s23 =	simm.s32 $0x200;
	[sflag:s12] =	ssyncset.done $0x0  }
.LBB2_2:
0x2f: {  	s25 =	sshra.s32 s23, $0x2  }
0x30: {  	[sflag:s12] =	ssyncadd.s32 $0xFFFFC000;
	s23 =	smov.u32 s24;
	s26 =	sadd.s32 $0x200, s24  }
0x31: {  	[tilespmem:s19], [sflag:$0x1] =	stream.indirect.gather [hbm4b:s4+s18], $0x80, s25, s18, $0xb8;
	[tilespmem:$0x1D100] =	vst v63  }
0x32: {  	p0 =	sne.s32 s24, $0x9A00;
	_ =	swait.ge [sflag:s20], $0x4000  }
.Ltmp0:
0x33: {  	[sflag:s20] =	ssyncset.done $0x0;
	(pc) =	sbr.rel @p0 .LBB2_2-.Ltmp0, $4  }
0x34: {  	s24 =	sadd.s32 $0x2800, s25;
	[sflag:s20] =	ssyncadd.s32 $0xFFFFC000  }
0x35: {  	[spmem:s2] =	stream.indirect.scatter.add.f32 [tilespmem:s19], [sflag:$0x2], $0x80, s24, s18, $0xb8;
	[tilespmem:$0x1D100] =	vst v63  }
0x36: {  	_ =	swait.ge [sflag:s12], $0x4000  }
0x37: {  	s24 =	smov.u32 s26;
	[sflag:s12] =	ssyncset.done $0x0  }
0x38: {  	s23 =	sshra.s32 s23, $0x2;
	[sflag:s12] =	ssyncadd.s32 $0xFFFFC000  }
0x39: {  	[tilespmem:s19], [sflag:$0x1] =	stream.indirect.gather [hbm4b:s4+s18], $0x80, s23, s18, $0xb8;
	[tilespmem:$0x1D100] =	vst v63  }
0x3a: {  	_ =	swait.ge [sflag:s20], $0x4000  }
0x3b: {  	[sflag:s20] =	ssyncset.done $0x0  }
0x3c: {  	s23 =	sadd.s32 $0x2800, s23;
	[sflag:s20] =	ssyncadd.s32 $0xFFFFC000  }
0x3d: {  	[spmem:s2] =	stream.indirect.scatter.add.f32 [tilespmem:s19], [sflag:$0x2], $0x80, s23, s18, $0xb8;
	[tilespmem:$0x1D100] =	vst v63  }
0x3e: {  	_ =	swait.ge [sflag:s12], $0x4000  }
0x3f: {  	[sflag:s12] =	ssyncset.done $0x0  }
0x40: {  	[sflag:s12] =	ssyncadd.s32 $0xFFFFC000  }
0x41: {  	[tilespmem:s19], [sflag:$0x1] =	stream.indirect.gather [hbm4b:s4+s21], $0x80, s14, s21, $0xb8;
	[tilespmem:$0x1D100] =	vst v63  }
0x42: {  	_ =	swait.ge [sflag:s20], $0x800  }
0x43: {  	[sflag:s20] =	ssyncset.done $0x0  }
0x44: {  	[sflag:s20] =	ssyncadd.s32 $0xFFFFF800  }
0x45: {  	[spmem:s2] =	stream.indirect.scatter.add.f32 [tilespmem:s19], [sflag:$0x2], $0x80, s15, s21, $0xb8;
	[tilespmem:$0x1D100] =	vst v63  }
0x46: {  	_ =	swait.ge [sflag:s12], $0x800  }
0x47: {  	s22 =	sadd.s32 $0x1, s22;
	[sflag:s12] =	ssyncset.done $0x0  }
0x48: {  	p0 =	sne.s32 s22, s11;
	[sflag:s12] =	ssyncadd.s32 $0xFFFFF800  }
.Ltmp1:
0x49: {  	[bflag:$0x0] =	sbarrier.arrive $0xFFFF;
	(pc) =	sbr.rel @p0 .LBB2_1-.Ltmp1, $4  }
0x4a: {  	[hbm:s10], [sflag:s16] =	dma.local [spmem:s17], $0x2800  }
0x4b: {  	_ =	swait.ge [sflag:s12], $0x2800  }
0x4c: {  	[sflag:s12] =	ssyncset.done $0x0  }
0x4d: {  	[sflag:s12] =	ssyncadd.s32 $0xFFFFD800  }
0x4e: {  	_ =	sfence.sel $0x180000  }
0x4f: {  	[bflag:$0x0] =	sbarrier.arrive $0xFFFF  }
0x50: {  	p0 =	sne.s32 s1, $0x0;
	_ =	strace $0x9000004A  }
0x51: {  	s0 =	sadd.s32 @!p0 $0x100000, s0;
	[bflag:$0x2] =	sbarrier.arrive $0xFFFF  }
0x52: {  	[sflag:s0] =	ssyncadd.tile.s32 @!p0 $0x1;
	_ =	shalt  }
.Lfunc_end2:
_tile_overlayer_lowered:
.L_overlay_start_2:
0x53: {  	(tag) =	ssettag $0x2  }
0x54: {  	s0 =	rddreg [dreg:$0x0];
	s2 =	stileid.u32  }
0x55: {  	s1 =	rddreg [dreg:$0x1];
	p0 =	sne.s32 s2, $0x0  }
0x56: {  	s3 =	rddreg [dreg:$0x2];
	[bflag:$0x3] =	sbarrier.arrive $0xFFFF;
	s2 =	simm.s32 @!p0 $0x1C02  }
0x57: {  	[timem:s3], [sflag:s2] =	dma.local @!p0 [hbm:s0], s1  }
0x58: {  	s0 =	simm.s32 @!p0 $0x2  }
0x59: {  	_ =	swait.ge @!p0 [sflag:s0], s1  }
0x5a: {  	s1 =	ssub.s32 @!p0 $0x0, s1;
	[sflag:s0] =	ssyncset.done @!p0 $0x0  }
0x5b: {  	[sflag:s0] =	ssyncadd.s32 @!p0 s1  }
0x5c: {  	[bflag:$0x3] =	sbarrier.arrive $0xFFFF  }
0x5d: {  	_ =	shalt  }

// kernel: kernel.14.cloned.1.call-start
scs
__scs_entry_jumppad:
0x0: {  	(pc) =	sbr.rel $0x88, $3  }
0x1: {  	(tag) =	ssettag $0x0;
	lr =	simm.s32 $0x1  }
0x2: {  	[smem:$0x3F9B] =	sst lr;
	_ =	strace $0xD0000000  }
0x3: {  	_ = 	snop  }
0x4: {  	_ = 	snop  }
0x5: {  	_ = 	snop  }
0x6: {  	_ = 	snop  }
0x7: {  	_ = 	snop  }
__scs_overlays_trampoline_lowered:
0x8: {  	[smem:$0x3FAA] =	sst s0  }
0x9: {  	[smem:$0x3FAB] =	sst s1  }
0xa: {  	[smem:$0x3FAC] =	sst s2  }
0xb: {  	[smem:$0x3FAD] =	sst s3  }
0xc: {  	[smem:$0x3FAE] =	sst s4  }
0xd: {  	[smem:$0x3FAF] =	sst s5  }
0xe: {  	[smem:$0x3FB0] =	sst s6  }
0xf: {  	[smem:$0x3FB1] =	sst s7  }
0x10: {  	[smem:$0x3FB2] =	sst s8  }
0x11: {  	[smem:$0x3FB3] =	sst s9;
	s0 =	simm.s32 @!p0 $0x0  }
0x12: {  	s1 =	sld [smem:$0x3F99];
	s0 =	simm.s32 @p0 $0x1  }
0x13: {  	[smem:$0x3FB4] =	sst s0;
	s0 =	simm.s32 @!p1 $0x0  }
0x14: {  	s2 =	sld [smem:$0x3F98];
	s0 =	simm.s32 @p1 $0x1  }
0x15: {  	[smem:$0x3FB5] =	sst s0;
	s0 =	simm.s32 @!p2 $0x0  }
0x16: {  	s3 =	sld [smem:$0x3FDB];
	s0 =	simm.s32 @p2 $0x1  }
0x17: {  	s4 =	simm.s32 $0x1BF5;
	[smem:$0x3FB7] =	sst s0  }
0x18: {  	s0 =	sld [smem:$0x3F9A];
	_ =	swait.ge [sflag:s4], $0x0  }
0x19: {  	s7 =	sld [smem:$0x3F9B]  }
0x1a: {  	s8 =	sadd.s32 $0xFFFFE003, lr  }
0x1b: {  	s9 =	sadd.s32 $0xFFFFFEF7, lr;
	s5 =	simm.s32 $0xFFFFFFFF;
	p2 =	slt.u32 s8, $0xFFFFF086  }
0x1c: {  	p1 =	slt.u32 s9, $0xF7A;
	s5 =	simm.s32 @!p2 $0x0  }
0x1d: {  	s5 =	simm.s32 @p1 $0x1;
	p0 =	seq.s32 s7, s2  }
0x1e: {  	s7 =	smul.u32 @!p0 $0xF7A, s2;
	p2 =	seq.s32 @!p0 s5, $0x0  }
0x1f: {  	s9 =	smul.u32 $0xF7A, s1;
	s8 =	simm.s32 @!p0 $0x1BF5;
	p2 =	por !p2, p0  }
0x20: {  	[sflag:s8] =	ssyncset.s32 @!p0 $0xFFFFF086;
	s6 =	sadd.s32 @!p0 s3, s7;
	s7 =	simm.s32 @!p0 $0x108  }
0x21: {  	s3 =	sadd.s32 s3, s9;
	s6 =	sadd.s32 @!p0 $0x88, s6;
	s7 =	simm.s32 @p2 $0x1082  }
0x22: {  	[simem:s7], [sflag:s8] =	dma.local @!p0 [hbm:s6], $0xF7A  }
0x23: {  	s9 =	sor.u32 $0xD0000000, s2;
	s6 =	simm.s32 $0x108;
	_ =	swait.ge @!p0 [sflag:s8], $0x0  }
0x24: {  	s3 =	sadd.s32 $0x88, s3;
	s6 =	simm.s32 @!p1 $0x1082;
	[sflag:s4] =	ssyncset.s32 $0xFFFFF086  }
0x25: {  	[simem:s6], [sflag:s4] =	dma.local [hbm:s3], $0xF7A  }
0x26: {  	[smem:$0x3F9B] =	sst s1;
	(tag) =	ssettag s2;
	_ =	strace s9  }
0x27: {  	s1 =	sld [smem:$0x3FAB]  }
0x28: {  	s2 =	sld [smem:$0x3FAC]  }
0x29: {  	s4 =	sld [smem:$0x3FAE]  }
0x2a: {  	p0 =	seq.s32 s5, $0x0;
	s5 =	sld [smem:$0x3FAF]  }
0x2b: {  	s6 =	sld [smem:$0x3FB0]  }
0x2c: {  	s7 =	sld [smem:$0x3FB1]  }
0x2d: {  	s3 =	simm.s32 $0x108;
	s8 =	sld [smem:$0x3FB2]  }
0x2e: {  	s3 =	simm.s32 @!p0 $0x1082;
	s9 =	sld [smem:$0x3FB3]  }
0x2f: {  	lr =	sadd.s32 s0, s3;
	s0 =	sld [smem:$0x3FAA]  }
0x30: {  	s3 =	sld [smem:$0x3FAD]  }
0x31: {  	[smem:$0x3FB6] =	sst s10  }
0x32: {  	s10 =	sld [smem:$0x3FB4];
	_ =	sdelay $0x3  }
0x33: {  	p0 =	seq.s32 s10, $0x1;
	s10 =	sld [smem:$0x3FB6];
	_ =	sdelay $0x3  }
0x34: {  	[smem:$0x3FB6] =	sst s10  }
0x35: {  	s10 =	sld [smem:$0x3FB5];
	_ =	sdelay $0x3  }
0x36: {  	p1 =	seq.s32 s10, $0x1;
	s10 =	sld [smem:$0x3FB6];
	_ =	sdelay $0x3  }
0x37: {  	[smem:$0x3FB6] =	sst s10  }
0x38: {  	s10 =	sld [smem:$0x3FB7]  }
0x39: {  	_ = 	snop;
	(pc) =	sbr.ind lr, $3  }
0x3a: {  	_ = 	snop  }
0x3b: {  	_ = 	snop  }
0x3c: {  	p2 =	seq.s32 s10, $0x1;
	s10 =	sld [smem:$0x3FB6]  }
0x3d: {  	_ =	shalt  }
0x3e: {  	_ =	shalt  }
0x3f: {  	_ =	shalt  }
0x40: {  	_ =	shalt  }
0x41: {  	_ =	shalt  }
0x42: {  	_ =	shalt  }
0x43: {  	_ =	shalt  }
0x44: {  	_ =	shalt  }
0x45: {  	_ =	shalt  }
0x46: {  	_ =	shalt  }
0x47: {  	_ =	shalt  }
0x48: {  	_ =	shalt  }
0x49: {  	_ =	shalt  }
0x4a: {  	_ =	shalt  }
0x4b: {  	_ =	shalt  }
0x4c: {  	_ =	shalt  }
0x4d: {  	_ =	shalt  }
0x4e: {  	_ =	shalt  }
0x4f: {  	_ =	shalt  }
0x50: {  	_ =	shalt  }
0x51: {  	_ =	shalt  }
0x52: {  	_ =	shalt  }
0x53: {  	_ =	shalt  }
0x54: {  	_ =	shalt  }
0x55: {  	_ =	shalt  }
0x56: {  	_ =	shalt  }
0x57: {  	_ =	shalt  }
0x58: {  	_ =	shalt  }
0x59: {  	_ =	shalt  }
0x5a: {  	_ =	shalt  }
0x5b: {  	_ =	shalt  }
0x5c: {  	_ =	shalt  }
0x5d: {  	_ =	shalt  }
0x5e: {  	_ =	shalt  }
0x5f: {  	_ =	shalt  }
0x60: {  	_ =	shalt  }
0x61: {  	_ =	shalt  }
0x62: {  	_ =	shalt  }
0x63: {  	_ =	shalt  }
0x64: {  	_ =	shalt  }
0x65: {  	_ =	shalt  }
0x66: {  	_ =	shalt  }
0x67: {  	_ =	shalt  }
0x68: {  	_ =	shalt  }
0x69: {  	_ =	shalt  }
0x6a: {  	_ =	shalt  }
0x6b: {  	_ =	shalt  }
0x6c: {  	_ =	shalt  }
0x6d: {  	_ =	shalt  }
0x6e: {  	_ =	shalt  }
0x6f: {  	_ =	shalt  }
0x70: {  	_ =	shalt  }
0x71: {  	_ =	shalt  }
0x72: {  	_ =	shalt  }
0x73: {  	_ =	shalt  }
0x74: {  	_ =	shalt  }
0x75: {  	_ =	shalt  }
0x76: {  	_ =	shalt  }
0x77: {  	_ =	shalt  }
0x78: {  	_ =	shalt  }
0x79: {  	_ =	shalt  }
0x7a: {  	_ =	shalt  }
0x7b: {  	_ =	shalt  }
0x7c: {  	_ =	shalt  }
0x7d: {  	_ =	shalt  }
0x7e: {  	_ =	shalt  }
0x7f: {  	_ =	shalt  }
0x80: {  	_ =	shalt  }
0x81: {  	_ =	shalt  }
0x82: {  	_ =	shalt  }
0x83: {  	_ =	shalt  }
0x84: {  	_ =	shalt  }
0x85: {  	_ =	shalt  }
0x86: {  	_ =	shalt  }
0x87: {  	_ =	shalt  }
.Lfunc_end0:
.L_simem_size_0:
called_computation.2_lowered:
.L_overlay_start_0:
0x88: {  	s2 =	sld [smem:$0x3FD9]  }
0x89: {  	s3 =	sld [smem:$0x3FFE];
	_ =	sdelay $0x1  }
0x8a: {  	s1 =	srdreg.scid  }
0x8b: {  	s0 =	sand.u32 $0x1, s1  }
0x8c: {  	s17 =	sshll.u32 s0, $0xA;
	s2 =	sadd.s32 s3, s2  }
0x8d: {  	s2 =	sadd.s32 s2, s17  }
0x8e: {  	[smem:$0x3FC2] =	sst s2  }
0x8f: {  	_ = 	snop  }
0x90: {  	s2 =	sld [smem:$0x3FD0];
	(tm) =	ssettm $0x1  }
0x91: {  	s18 =	sld [smem:$0x3FFB];
	_ =	sdelay $0x3  }
0x92: {  	_ =	strace s18  }
0x93: {  	s3 =	sld [smem:$0x3FFC];
	_ =	sdelay $0x3  }
0x94: {  	_ =	strace s3  }
0x95: {  	s3 =	sld [smem:$0x3FFD];
	_ =	sdelay $0x3  }
0x96: {  	_ =	strace s3  }
0x97: {  	_ =	strace $0x8FFFFFFF  }
0x98: {  	s19 =	sld [smem:$0x3FDB];
	_ =	sdelay $0x1  }
0x99: {  	s4 =	simm.s32 $_scs_section_size  }
0x9a: {  	s5 =	simm.s32 $_size__tile_overlayer_lowered;
	s6 =	simm.s32 $_tile_overlayer_lowered  }
0x9b: {  	s22 =	simm.s32 $0x1BFF;
	s21 =	sshll.u32 s6, $0x1;
	s3 =	sadd.s32 s4, s19  }
0x9c: {  	s7 =	simm.s32 $0x0;
	s20 =	sshll.u32 s5, $0x1;
	s5 =	sadd.s32 s21, s3  }
0x9d: {  	[timem:s7], [sflag:s22] =	dma.local [hbm:s5], s20  }
0x9e: {  	_ =	swait.ge [sflag:s22], s20  }
0x9f: {  	s4 =	ssub.s32 $0x0, s20;
	[sflag:s22] =	ssyncset.done $0x0  }
0xa0: {  	[sflag:s22] =	ssyncadd.s32 s4;
	_ =	sdelay $0x1  }
0xa1: {  	s23 =	simm.s32 $0x1B8B  }
0xa2: {  	_ =	swait.ge [sflag:s23], $0x1  }
0xa3: {  	[sflag:s23] =	ssyncset.done $0x0  }
0xa4: {  	s25 =	simm.s32 $0x1B8E;
	s24 =	sld [smem:$0x3FFE];
	[sflag:s23] =	ssyncadd.s32 $0xFFFFFFFF  }
0xa5: {  	s26 =	simm.s32 $execute0_lowered;
	[smem:$0x3FD2] =	sst s25  }
0xa6: {  	s5 =	sshll.u32 s26, $0x1;
	_ =	strace $0x8000004C;
	[dreg:$0x1] =	wrdreg $0xFFFFFFFF  }
0xa7: {  	s28 =	simm.s32 $_size_execute0_lowered;
	s3 =	sadd.s32 s3, s5;
	[dreg:$0x0] =	wrdreg $0x0  }
0xa8: {  	s5 =	sshll.u32 s28, $0x1;
	[dreg:$0x2] =	wrdreg s3  }
0xa9: {  	[dreg:$0x3] =	wrdreg s5  }
0xaa: {  	[dreg:$0x4] =	wrdreg $0xC0  }
0xab: {  	_ =	task [dreg:s7], $0x5FFFF  }
0xac: {  	[dreg:$0x1] =	wrdreg $0xFFFFFFFF  }
0xad: {  	[dreg:$0x0] =	wrdreg $0x60  }
0xae: {  	[dreg:$0x2] =	wrdreg s24  }
0xaf: {  	[dreg:$0x3] =	wrdreg s2  }
0xb0: {  	[dreg:$0x4] =	wrdreg $0x91000  }
0xb1: {  	[dreg:$0x5] =	wrdreg $0x9  }
0xb2: {  	_ =	task.clear_ibuf [dreg:s7], $0x6FFFF;
	_ =	strace $0x9000004C  }
0xb3: {  	s29 =	simm.s32 $0x9;
	_ =	strace $0x8000004E  }
0xb4: {  	_ =	swait.ge [sflag:s29], $0x1  }
0xb5: {  	[sflag:s29] =	ssyncadd.s32 $0xFFFFFFFF  }
0xb6: {  	_ =	strace $0x9000004E  }
0xb7: {  	_ =	sfence  }
0xb8: {  	s30 =	sld [smem:$0x0];
	_ =	sdelay $0x2  }
0xb9: {  	s31 =	sshll.u32 s1, $0xD;
	s1 =	sshrl.u32 s1, $0x2  }
0xba: {  	s3 =	sand.u32 $0x4000, s31;
	s1 =	sadd.s32 s1, s30  }
0xbb: {  	s0 =	sor.u32 s3, s0;
	s1 =	sshll.u32 s1, $0x11  }
0xbc: {  	s0 =	sor.u32 s1, s0  }
0xbd: {  	s0 =	sadd.s32 $0x8F2B, s0  }
0xbe: {  	[sflag:s0] =	ssyncadd.remote.s32 $0x1  }
0xbf: {  	_ =	sfence.sel $0xFFFF  }
0xc0: {  	[dreg:$0x0] =	wrdreg $0xFFFFFFFF;
	(pc) =	sbr.abs _section_cstart, $3  }
0xc1: {  	[dreg:$0x1] =	wrdreg $0xFFFFFFFF  }
0xc2: {  	_ =	task.clear_ibuf [dreg:s7], $0x2FFFF;
	_ =	strace $0x9FFFFFFF  }
0xc3: {  	(tm) =	ssettm $0x7FFFFFFF  }
tec
execute0_lowered:
.L_overlay_start_1:
0x0: {  	(tag) =	ssettag $0x1  }
0x1: {  	s6 =	rddreg [dreg:$0x0]  }
0x2: {  	s0 =	srdreg.scid;
	s7 =	rddreg [dreg:$0x1]  }
0x3: {  	s2 =	rddreg [dreg:$0x2];
	s1 =	stileid.u32;
	s3 =	simm.s32 $0x0  }
0x4: {  	s15 =	simm.s32 $0x5080;
	s18 =	simm.s32 $0x80;
	s19 =	simm.s32 $0x5100  }
0x5: {  	s20 =	simm.s32 $0x1;
	s21 =	simm.s32 $0x10;
	s22 =	simm.s32 $0x0  }
0x6: {  	s8 =	sand.u32 $0x1, s0;
	s0 =	rddreg [dreg:$0x3];
	s12 =	smul.u32 $0x14000, s1  }
0x7: {  	[smem:$0x7FF] =	sst s3;
	s5 =	sshll.u32 s1, $0x4;
	s30 =	smul.u32 $0x50000, s1  }
0x8: {  	s16 =	sshll.u32 s1, $0x6;
	s4 =	sshll.u32 s8, $0x4;
	s10 =	smul.u32 $0x140000, s8  }
0x9: {  	s5 =	sand.u32 $0x70, s5;
	_ =	strace $0x8000004D;
	s8 =	ssub.s32 $0x2, s8  }
0xa: {  	s16 =	sor.u32 $0x1C02, s16;
	s4 =	sor.u32 s1, s4;
	s29 =	sshrl.u32 s8, $0x1  }
0xb: {  	s31 =	sshrl.u32 s30, $0x2;
	s9 =	smul.u32 $0x500, s4;
	s4 =	sshll.u32 s4, $0x4  }
0xc: {  	s10 =	sadd.s32 s12, s10;
	s14 =	ssub.s32 s8, s29;
	s17 =	sadd.s32 s31, s2  }
0xd: {  	s12 =	simm.s32 $0x2;
	s11 =	sand.u32 $0x180, s4;
	s4 =	sadd.s32 $0xDA00, s6  }
0xe: {  	s10 =	sshrl.u32 s10, $0x3;
	s17 =	sshrl.u32 s17, $0x3;
	s5 =	sor.u32 s5, s11  }
0xf: {  	s28 =	sadd.s32 s9, s6;
	s10 =	sadd.s32 s10, s6;
	s7 =	sadd.s32 s7, s9  }
0x10: {  	s11 =	smax.u32 s14, $0x1;
	s14 =	simm.s32 $0x5000;
	s13 =	sadd.s32 s5, s6  }
0x11: {  	s5 =	sadd.s32 $0x35A00, s6;
	s6 =	sadd.s32 $0x3A00, s28;
	s10 =	sadd.s32 $0x38200, s10  }
0x12: {  	s8 =	sadd.s32 $0x3800, s13;
	s9 =	sadd.s32 $0x2400, s13;
	s13 =	simm.s32 $0x2800  }
.LBB2_1:
0x13: {  	[tilespmem:s3], [sflag:$0x2] =	stream.linear.gather [hbm4b:s6+s3], $0x2700, $0x38;
	[tilespmem:$0x1D100] =	vst v63  }
0x14: {  	_ =	swait.ge [sflag:s12], $0x2700  }
0x15: {  	[sflag:s12] =	ssyncset.done $0x0  }
0x16: {  	[sflag:s12] =	ssyncadd.s32 $0xFFFFD900  }
0x17: {  	[tilespmem:s13], [sflag:$0x2] =	stream.linear.gather [hbm4b:s7+s3], $0x2700, $0x38;
	[tilespmem:$0x1D100] =	vst v63  }
0x18: {  	_ =	swait.ge [sflag:s12], $0x2700  }
0x19: {  	[sflag:s12] =	ssyncset.done $0x0  }
0x1a: {  	[sflag:s12] =	ssyncadd.s32 $0xFFFFD900  }
0x1b: {  	[tilespmem:s14], [sflag:$0x2] =	stream.linear.gather [hbm4b:s8+s3], $0x80, $0x38;
	[tilespmem:$0x1D100] =	vst v63  }
0x1c: {  	_ =	swait.ge [sflag:s12], $0x80  }
0x1d: {  	[sflag:s12] =	ssyncset.done $0x0  }
0x1e: {  	[sflag:s12] =	ssyncadd.s32 $0xFFFFFF80  }
0x1f: {  	[tilespmem:s15], [sflag:$0x2] =	stream.linear.gather [hbm4b:s9+s3], $0x80, $0x38;
	[tilespmem:$0x1D100] =	vst v63  }
0x20: {  	_ =	swait.ge [sflag:s12], $0x80  }
0x21: {  	[sflag:s12] =	ssyncset.done $0x0  }
0x22: {  	[sflag:s12] =	ssyncadd.s32 $0xFFFFFF80  }
0x23: {  	[spmem:s17], [sflag:s16] =	dma.local [hbm:s5], $0x2800  }
0x24: {  	_ =	swait.ge [sflag:s12], $0x2800  }
0x25: {  	[sflag:s12] =	ssyncset.done $0x0  }
0x26: {  	[sflag:s12] =	ssyncadd.s32 $0xFFFFD800  }
0x27: {  	s23 =	simm.s32 $0x0;
	[bflag:$0x0] =	sbarrier.arrive $0xFFFF  }
0x28: {  	[tilespmem:s19], [sflag:$0x1] =	stream.indirect.gather [hbm4b:s4+s18], $0x80, s23, s18, $0xb8;
	[tilespmem:$0x1D100] =	vst v63  }
0x29: {  	_ =	swait.ge [sflag:s20], $0x4000  }
0x2a: {  	[sflag:s20] =	ssyncset.done $0x0  }
0x2b: {  	s31 =	simm.s32 $0x2800;
	[sflag:s20] =	ssyncadd.s32 $0xFFFFC000  }
0x2c: {  	[spmem:s2] =	stream.indirect.scatter.add.f32 [tilespmem:s19], [sflag:$0x2], $0x80, s31, s18, $0xb8;
	[tilespmem:$0x1D100] =	vst v63  }
0x2d: {  	_ =	swait.ge [sflag:s12], $0x4000  }
0x2e: {  	s24 =	simm.s32 $0x400;
	s23 =	simm.s32 $0x200;
	[sflag:s12] =	ssyncset.done $0x0  }
.LBB2_2:
0x2f: {  	s25 =	sshra.s32 s23, $0x2  }
0x30: {  	[sflag:s12] =	ssyncadd.s32 $0xFFFFC000;
	s23 =	smov.u32 s24;
	s26 =	sadd.s32 $0x200, s24  }
0x31: {  	[tilespmem:s19], [sflag:$0x1] =	stream.indirect.gather [hbm4b:s4+s18], $0x80, s25, s18, $0xb8;
	[tilespmem:$0x1D100] =	vst v63  }
0x32: {  	p0 =	sne.s32 s24, $0x9A00;
	_ =	swait.ge [sflag:s20], $0x4000  }
.Ltmp0:
0x33: {  	[sflag:s20] =	ssyncset.done $0x0;
	(pc) =	sbr.rel @p0 .LBB2_2-.Ltmp0, $4  }
0x34: {  	s24 =	sadd.s32 $0x2800, s25;
	[sflag:s20] =	ssyncadd.s32 $0xFFFFC000  }
0x35: {  	[spmem:s2] =	stream.indirect.scatter.add.f32 [tilespmem:s19], [sflag:$0x2], $0x80, s24, s18, $0xb8;
	[tilespmem:$0x1D100] =	vst v63  }
0x36: {  	_ =	swait.ge [sflag:s12], $0x4000  }
0x37: {  	s24 =	smov.u32 s26;
	[sflag:s12] =	ssyncset.done $0x0  }
0x38: {  	s23 =	sshra.s32 s23, $0x2;
	[sflag:s12] =	ssyncadd.s32 $0xFFFFC000  }
0x39: {  	[tilespmem:s19], [sflag:$0x1] =	stream.indirect.gather [hbm4b:s4+s18], $0x80, s23, s18, $0xb8;
	[tilespmem:$0x1D100] =	vst v63  }
0x3a: {  	_ =	swait.ge [sflag:s20], $0x4000  }
0x3b: {  	[sflag:s20] =	ssyncset.done $0x0  }
0x3c: {  	s23 =	sadd.s32 $0x2800, s23;
	[sflag:s20] =	ssyncadd.s32 $0xFFFFC000  }
0x3d: {  	[spmem:s2] =	stream.indirect.scatter.add.f32 [tilespmem:s19], [sflag:$0x2], $0x80, s23, s18, $0xb8;
	[tilespmem:$0x1D100] =	vst v63  }
0x3e: {  	_ =	swait.ge [sflag:s12], $0x4000  }
0x3f: {  	[sflag:s12] =	ssyncset.done $0x0  }
0x40: {  	[sflag:s12] =	ssyncadd.s32 $0xFFFFC000  }
0x41: {  	[tilespmem:s19], [sflag:$0x1] =	stream.indirect.gather [hbm4b:s4+s21], $0x80, s14, s21, $0xb8;
	[tilespmem:$0x1D100] =	vst v63  }
0x42: {  	_ =	swait.ge [sflag:s20], $0x800  }
0x43: {  	[sflag:s20] =	ssyncset.done $0x0  }
0x44: {  	[sflag:s20] =	ssyncadd.s32 $0xFFFFF800  }
0x45: {  	[spmem:s2] =	stream.indirect.scatter.add.f32 [tilespmem:s19], [sflag:$0x2], $0x80, s15, s21, $0xb8;
	[tilespmem:$0x1D100] =	vst v63  }
0x46: {  	_ =	swait.ge [sflag:s12], $0x800  }
0x47: {  	s22 =	sadd.s32 $0x1, s22;
	[sflag:s12] =	ssyncset.done $0x0  }
0x48: {  	p0 =	sne.s32 s22, s11;
	[sflag:s12] =	ssyncadd.s32 $0xFFFFF800  }
.Ltmp1:
0x49: {  	[bflag:$0x0] =	sbarrier.arrive $0xFFFF;
	(pc) =	sbr.rel @p0 .LBB2_1-.Ltmp1, $4  }
0x4a: {  	[hbm:s10], [sflag:s16] =	dma.local [spmem:s17], $0x2800  }
0x4b: {  	_ =	swait.ge [sflag:s12], $0x2800  }
0x4c: {  	[sflag:s12] =	ssyncset.done $0x0  }
0x4d: {  	[sflag:s12] =	ssyncadd.s32 $0xFFFFD800  }
0x4e: {  	_ =	sfence.sel $0x180000  }
0x4f: {  	[bflag:$0x0] =	sbarrier.arrive $0xFFFF  }
0x50: {  	p0 =	sne.s32 s1, $0x0;
	_ =	strace $0x9000004D  }
0x51: {  	s0 =	sadd.s32 @!p0 $0x100000, s0;
	[bflag:$0x2] =	sbarrier.arrive $0xFFFF  }
0x52: {  	[sflag:s0] =	ssyncadd.tile.s32 @!p0 $0x1;
	_ =	shalt  }
.Lfunc_end2:
_tile_overlayer_lowered:
.L_overlay_start_2:
0x53: {  	(tag) =	ssettag $0x2  }
0x54: {  	s0 =	rddreg [dreg:$0x0];
	s2 =	stileid.u32  }
0x55: {  	s1 =	rddreg [dreg:$0x1];
	p0 =	sne.s32 s2, $0x0  }
0x56: {  	s3 =	rddreg [dreg:$0x2];
	[bflag:$0x3] =	sbarrier.arrive $0xFFFF;
	s2 =	simm.s32 @!p0 $0x1C02  }
0x57: {  	[timem:s3], [sflag:s2] =	dma.local @!p0 [hbm:s0], s1  }
0x58: {  	s0 =	simm.s32 @!p0 $0x2  }
0x59: {  	_ =	swait.ge @!p0 [sflag:s0], s1  }
0x5a: {  	s1 =	ssub.s32 @!p0 $0x0, s1;
	[sflag:s0] =	ssyncset.done @!p0 $0x0  }
0x5b: {  	[sflag:s0] =	ssyncadd.s32 @!p0 s1  }
0x5c: {  	[bflag:$0x3] =	sbarrier.arrive $0xFFFF  }
0x5d: {  	_ =	shalt  }

// kernel: kernel.8.cloned.1.call-start
scs
__scs_entry_jumppad:
0x0: {  	(pc) =	sbr.rel $0x88, $3  }
0x1: {  	(tag) =	ssettag $0x0;
	lr =	simm.s32 $0x1  }
0x2: {  	[smem:$0x3F9B] =	sst lr;
	_ =	strace $0xD0000000  }
0x3: {  	_ = 	snop  }
0x4: {  	_ = 	snop  }
0x5: {  	_ = 	snop  }
0x6: {  	_ = 	snop  }
0x7: {  	_ = 	snop  }
__scs_overlays_trampoline_lowered:
0x8: {  	[smem:$0x3FAA] =	sst s0  }
0x9: {  	[smem:$0x3FAB] =	sst s1  }
0xa: {  	[smem:$0x3FAC] =	sst s2  }
0xb: {  	[smem:$0x3FAD] =	sst s3  }
0xc: {  	[smem:$0x3FAE] =	sst s4  }
0xd: {  	[smem:$0x3FAF] =	sst s5  }
0xe: {  	[smem:$0x3FB0] =	sst s6  }
0xf: {  	[smem:$0x3FB1] =	sst s7  }
0x10: {  	[smem:$0x3FB2] =	sst s8  }
0x11: {  	[smem:$0x3FB3] =	sst s9;
	s0 =	simm.s32 @!p0 $0x0  }
0x12: {  	s1 =	sld [smem:$0x3F99];
	s0 =	simm.s32 @p0 $0x1  }
0x13: {  	[smem:$0x3FB4] =	sst s0;
	s0 =	simm.s32 @!p1 $0x0  }
0x14: {  	s2 =	sld [smem:$0x3F98];
	s0 =	simm.s32 @p1 $0x1  }
0x15: {  	[smem:$0x3FB5] =	sst s0;
	s0 =	simm.s32 @!p2 $0x0  }
0x16: {  	s3 =	sld [smem:$0x3FDB];
	s0 =	simm.s32 @p2 $0x1  }
0x17: {  	s4 =	simm.s32 $0x1BF5;
	[smem:$0x3FB7] =	sst s0  }
0x18: {  	s0 =	sld [smem:$0x3F9A];
	_ =	swait.ge [sflag:s4], $0x0  }
0x19: {  	s7 =	sld [smem:$0x3F9B]  }
0x1a: {  	s8 =	sadd.s32 $0xFFFFE003, lr  }
0x1b: {  	s9 =	sadd.s32 $0xFFFFFEF7, lr;
	s5 =	simm.s32 $0xFFFFFFFF;
	p2 =	slt.u32 s8, $0xFFFFF086  }
0x1c: {  	p1 =	slt.u32 s9, $0xF7A;
	s5 =	simm.s32 @!p2 $0x0  }
0x1d: {  	s5 =	simm.s32 @p1 $0x1;
	p0 =	seq.s32 s7, s2  }
0x1e: {  	s7 =	smul.u32 @!p0 $0xF7A, s2;
	p2 =	seq.s32 @!p0 s5, $0x0  }
0x1f: {  	s9 =	smul.u32 $0xF7A, s1;
	s8 =	simm.s32 @!p0 $0x1BF5;
	p2 =	por !p2, p0  }
0x20: {  	[sflag:s8] =	ssyncset.s32 @!p0 $0xFFFFF086;
	s6 =	sadd.s32 @!p0 s3, s7;
	s7 =	simm.s32 @!p0 $0x108  }
0x21: {  	s3 =	sadd.s32 s3, s9;
	s6 =	sadd.s32 @!p0 $0x88, s6;
	s7 =	simm.s32 @p2 $0x1082  }
0x22: {  	[simem:s7], [sflag:s8] =	dma.local @!p0 [hbm:s6], $0xF7A  }
0x23: {  	s9 =	sor.u32 $0xD0000000, s2;
	s6 =	simm.s32 $0x108;
	_ =	swait.ge @!p0 [sflag:s8], $0x0  }
0x24: {  	s3 =	sadd.s32 $0x88, s3;
	s6 =	simm.s32 @!p1 $0x1082;
	[sflag:s4] =	ssyncset.s32 $0xFFFFF086  }
0x25: {  	[simem:s6], [sflag:s4] =	dma.local [hbm:s3], $0xF7A  }
0x26: {  	[smem:$0x3F9B] =	sst s1;
	(tag) =	ssettag s2;
	_ =	strace s9  }
0x27: {  	s1 =	sld [smem:$0x3FAB]  }
0x28: {  	s2 =	sld [smem:$0x3FAC]  }
0x29: {  	s4 =	sld [smem:$0x3FAE]  }
0x2a: {  	p0 =	seq.s32 s5, $0x0;
	s5 =	sld [smem:$0x3FAF]  }
0x2b: {  	s6 =	sld [smem:$0x3FB0]  }
0x2c: {  	s7 =	sld [smem:$0x3FB1]  }
0x2d: {  	s3 =	simm.s32 $0x108;
	s8 =	sld [smem:$0x3FB2]  }
0x2e: {  	s3 =	simm.s32 @!p0 $0x1082;
	s9 =	sld [smem:$0x3FB3]  }
0x2f: {  	lr =	sadd.s32 s0, s3;
	s0 =	sld [smem:$0x3FAA]  }
0x30: {  	s3 =	sld [smem:$0x3FAD]  }
0x31: {  	[smem:$0x3FB6] =	sst s10  }
0x32: {  	s10 =	sld [smem:$0x3FB4];
	_ =	sdelay $0x3  }
0x33: {  	p0 =	seq.s32 s10, $0x1;
	s10 =	sld [smem:$0x3FB6];
	_ =	sdelay $0x3  }
0x34: {  	[smem:$0x3FB6] =	sst s10  }
0x35: {  	s10 =	sld [smem:$0x3FB5];
	_ =	sdelay $0x3  }
0x36: {  	p1 =	seq.s32 s10, $0x1;
	s10 =	sld [smem:$0x3FB6];
	_ =	sdelay $0x3  }
0x37: {  	[smem:$0x3FB6] =	sst s10  }
0x38: {  	s10 =	sld [smem:$0x3FB7]  }
0x39: {  	_ = 	snop;
	(pc) =	sbr.ind lr, $3  }
0x3a: {  	_ = 	snop  }
0x3b: {  	_ = 	snop  }
0x3c: {  	p2 =	seq.s32 s10, $0x1;
	s10 =	sld [smem:$0x3FB6]  }
0x3d: {  	_ =	shalt  }
0x3e: {  	_ =	shalt  }
0x3f: {  	_ =	shalt  }
0x40: {  	_ =	shalt  }
0x41: {  	_ =	shalt  }
0x42: {  	_ =	shalt  }
0x43: {  	_ =	shalt  }
0x44: {  	_ =	shalt  }
0x45: {  	_ =	shalt  }
0x46: {  	_ =	shalt  }
0x47: {  	_ =	shalt  }
0x48: {  	_ =	shalt  }
0x49: {  	_ =	shalt  }
0x4a: {  	_ =	shalt  }
0x4b: {  	_ =	shalt  }
0x4c: {  	_ =	shalt  }
0x4d: {  	_ =	shalt  }
0x4e: {  	_ =	shalt  }
0x4f: {  	_ =	shalt  }
0x50: {  	_ =	shalt  }
0x51: {  	_ =	shalt  }
0x52: {  	_ =	shalt  }
0x53: {  	_ =	shalt  }
0x54: {  	_ =	shalt  }
0x55: {  	_ =	shalt  }
0x56: {  	_ =	shalt  }
0x57: {  	_ =	shalt  }
0x58: {  	_ =	shalt  }
0x59: {  	_ =	shalt  }
0x5a: {  	_ =	shalt  }
0x5b: {  	_ =	shalt  }
0x5c: {  	_ =	shalt  }
0x5d: {  	_ =	shalt  }
0x5e: {  	_ =	shalt  }
0x5f: {  	_ =	shalt  }
0x60: {  	_ =	shalt  }
0x61: {  	_ =	shalt  }
0x62: {  	_ =	shalt  }
0x63: {  	_ =	shalt  }
0x64: {  	_ =	shalt  }
0x65: {  	_ =	shalt  }
0x66: {  	_ =	shalt  }
0x67: {  	_ =	shalt  }
0x68: {  	_ =	shalt  }
0x69: {  	_ =	shalt  }
0x6a: {  	_ =	shalt  }
0x6b: {  	_ =	shalt  }
0x6c: {  	_ =	shalt  }
0x6d: {  	_ =	shalt  }
0x6e: {  	_ =	shalt  }
0x6f: {  	_ =	shalt  }
0x70: {  	_ =	shalt  }
0x71: {  	_ =	shalt  }
0x72: {  	_ =	shalt  }
0x73: {  	_ =	shalt  }
0x74: {  	_ =	shalt  }
0x75: {  	_ =	shalt  }
0x76: {  	_ =	shalt  }
0x77: {  	_ =	shalt  }
0x78: {  	_ =	shalt  }
0x79: {  	_ =	shalt  }
0x7a: {  	_ =	shalt  }
0x7b: {  	_ =	shalt  }
0x7c: {  	_ =	shalt  }
0x7d: {  	_ =	shalt  }
0x7e: {  	_ =	shalt  }
0x7f: {  	_ =	shalt  }
0x80: {  	_ =	shalt  }
0x81: {  	_ =	shalt  }
0x82: {  	_ =	shalt  }
0x83: {  	_ =	shalt  }
0x84: {  	_ =	shalt  }
0x85: {  	_ =	shalt  }
0x86: {  	_ =	shalt  }
0x87: {  	_ =	shalt  }
.Lfunc_end0:
.L_simem_size_0:
called_computation_lowered:
.L_overlay_start_0:
0x88: {  	s2 =	sld [smem:$0x3FD9]  }
0x89: {  	s3 =	sld [smem:$0x3FFE];
	_ =	sdelay $0x1  }
0x8a: {  	s1 =	srdreg.scid  }
0x8b: {  	s0 =	sand.u32 $0x1, s1  }
0x8c: {  	s17 =	sshll.u32 s0, $0xA;
	s2 =	sadd.s32 s3, s2  }
0x8d: {  	s2 =	sadd.s32 s2, s17  }
0x8e: {  	[smem:$0x3FC2] =	sst s2  }
0x8f: {  	_ = 	snop  }
0x90: {  	s2 =	sld [smem:$0x3FD0];
	(tm) =	ssettm $0x1  }
0x91: {  	s18 =	sld [smem:$0x3FFB];
	_ =	sdelay $0x3  }
0x92: {  	_ =	strace s18  }
0x93: {  	s3 =	sld [smem:$0x3FFC];
	_ =	sdelay $0x3  }
0x94: {  	_ =	strace s3  }
0x95: {  	s3 =	sld [smem:$0x3FFD];
	_ =	sdelay $0x3  }
0x96: {  	_ =	strace s3  }
0x97: {  	_ =	strace $0x8FFFFFFF  }
0x98: {  	s19 =	sld [smem:$0x3FDB];
	_ =	sdelay $0x1  }
0x99: {  	s4 =	simm.s32 $_scs_section_size  }
0x9a: {  	s5 =	simm.s32 $_size__tile_overlayer_lowered;
	s6 =	simm.s32 $_tile_overlayer_lowered  }
0x9b: {  	s22 =	simm.s32 $0x1BFF;
	s21 =	sshll.u32 s6, $0x1;
	s3 =	sadd.s32 s4, s19  }
0x9c: {  	s7 =	simm.s32 $0x0;
	s20 =	sshll.u32 s5, $0x1;
	s5 =	sadd.s32 s21, s3  }
0x9d: {  	[timem:s7], [sflag:s22] =	dma.local [hbm:s5], s20  }
0x9e: {  	_ =	swait.ge [sflag:s22], s20  }
0x9f: {  	s4 =	ssub.s32 $0x0, s20;
	[sflag:s22] =	ssyncset.done $0x0  }
0xa0: {  	[sflag:s22] =	ssyncadd.s32 s4;
	_ =	sdelay $0x1  }
0xa1: {  	s23 =	simm.s32 $0x1B8B  }
0xa2: {  	_ =	swait.ge [sflag:s23], $0x1  }
0xa3: {  	[sflag:s23] =	ssyncset.done $0x0  }
0xa4: {  	s25 =	simm.s32 $0x1B8E;
	s24 =	sld [smem:$0x3FFE];
	[sflag:s23] =	ssyncadd.s32 $0xFFFFFFFF  }
0xa5: {  	s26 =	simm.s32 $execute0_lowered;
	[smem:$0x3FD2] =	sst s25  }
0xa6: {  	s5 =	sshll.u32 s26, $0x1;
	_ =	strace $0x80000046;
	[dreg:$0x1] =	wrdreg $0xFFFFFFFF  }
0xa7: {  	s28 =	simm.s32 $_size_execute0_lowered;
	s3 =	sadd.s32 s3, s5;
	[dreg:$0x0] =	wrdreg $0x0  }
0xa8: {  	s5 =	sshll.u32 s28, $0x1;
	[dreg:$0x2] =	wrdreg s3  }
0xa9: {  	[dreg:$0x3] =	wrdreg s5  }
0xaa: {  	[dreg:$0x4] =	wrdreg $0xC0  }
0xab: {  	_ =	task [dreg:s7], $0x5FFFF  }
0xac: {  	[dreg:$0x1] =	wrdreg $0xFFFFFFFF  }
0xad: {  	[dreg:$0x0] =	wrdreg $0x60  }
0xae: {  	[dreg:$0x2] =	wrdreg s2  }
0xaf: {  	[dreg:$0x3] =	wrdreg s24  }
0xb0: {  	[dreg:$0x4] =	wrdreg $0x29000  }
0xb1: {  	[dreg:$0x5] =	wrdreg $0x9  }
0xb2: {  	_ =	task.clear_ibuf [dreg:s7], $0x6FFFF;
	_ =	strace $0x90000046  }
0xb3: {  	s29 =	simm.s32 $0x9;
	_ =	strace $0x80000048  }
0xb4: {  	_ =	swait.ge [sflag:s29], $0x1  }
0xb5: {  	[sflag:s29] =	ssyncadd.s32 $0xFFFFFFFF  }
0xb6: {  	_ =	strace $0x90000048  }
0xb7: {  	_ =	sfence  }
0xb8: {  	s30 =	sld [smem:$0x0];
	_ =	sdelay $0x2  }
0xb9: {  	s31 =	sshll.u32 s1, $0xD;
	s1 =	sshrl.u32 s1, $0x2  }
0xba: {  	s3 =	sand.u32 $0x4000, s31;
	s1 =	sadd.s32 s1, s30  }
0xbb: {  	s0 =	sor.u32 s3, s0;
	s1 =	sshll.u32 s1, $0x11  }
0xbc: {  	s0 =	sor.u32 s1, s0  }
0xbd: {  	s0 =	sadd.s32 $0x8F2B, s0  }
0xbe: {  	[sflag:s0] =	ssyncadd.remote.s32 $0x1  }
0xbf: {  	_ =	sfence.sel $0xFFFF  }
0xc0: {  	[dreg:$0x0] =	wrdreg $0xFFFFFFFF;
	(pc) =	sbr.abs _section_cstart, $3  }
0xc1: {  	[dreg:$0x1] =	wrdreg $0xFFFFFFFF  }
0xc2: {  	_ =	task.clear_ibuf [dreg:s7], $0x2FFFF;
	_ =	strace $0x9FFFFFFF  }
0xc3: {  	(tm) =	ssettm $0x7FFFFFFF  }
tec
execute0_lowered:
.L_overlay_start_1:
0x0: {  	(tag) =	ssettag $0x1  }
0x1: {  	s5 =	rddreg [dreg:$0x0]  }
0x2: {  	s6 =	rddreg [dreg:$0x1]  }
0x3: {  	s1 =	rddreg [dreg:$0x2]  }
0x4: {  	s0 =	rddreg [dreg:$0x3];
	s3 =	simm.s32 $0x0  }
0x5: {  	s2 =	stileid.u32;
	s8 =	srdreg.scid;
	s16 =	simm.s32 $0x10  }
0x6: {  	s17 =	simm.s32 $0x20;
	s18 =	simm.s32 $0x0;
	[smem:$0x7FF] =	sst s3  }
0x7: {  	s4 =	sshll.u32 s2, $0x4;
	s7 =	smul.u32 $0x280, s2;
	s8 =	sand.u32 $0x1, s8  }
0x8: {  	s9 =	smul.u32 $0x500, s2;
	s31 =	sshll.u32 s2, $0x6;
	_ =	strace $0x80000047  }
0x9: {  	s4 =	sand.u32 $0x70, s4;
	s11 =	sshll.u32 s8, $0x7;
	s28 =	sshll.u32 s8, $0x4  }
0xa: {  	s8 =	ssub.s32 $0x2, s8;
	s10 =	sadd.s32 s4, s6;
	s4 =	sadd.s32 $0x2C00, s6  }
0xb: {  	s12 =	sshrl.u32 s7, $0x3;
	s9 =	sor.u32 s11, s9;
	s11 =	sor.u32 s2, s28  }
0xc: {  	s29 =	sshrl.u32 s8, $0x1;
	s15 =	sadd.s32 s7, s1;
	s12 =	sadd.s32 s12, s6  }
0xd: {  	s9 =	sshrl.u32 s9, $0x3;
	s13 =	smul.u32 $0x500, s11;
	s11 =	sshll.u32 s11, $0x4  }
0xe: {  	s14 =	ssub.s32 s8, s29;
	s9 =	sadd.s32 s9, s6;
	s11 =	sand.u32 $0x180, s11  }
0xf: {  	s7 =	sadd.s32 $0x2600, s12;
	s12 =	simm.s32 $0x2880;
	s5 =	sadd.s32 s5, s13  }
0x10: {  	s30 =	sadd.s32 s11, s10;
	s8 =	sadd.s32 $0x2E00, s9;
	s9 =	smax.u32 s14, $0x1  }
0x11: {  	s10 =	simm.s32 $0x1;
	s11 =	simm.s32 $0x2800;
	s13 =	sor.u32 $0x1C01, s31  }
0x12: {  	s14 =	sshrl.u32 s15, $0x3;
	s15 =	simm.s32 $0x80;
	s6 =	sadd.s32 $0x2400, s30  }
.LBB2_1:
0x13: {  	[tilespmem:s3], [sflag:$0x1] =	stream.linear.gather [hbm4b:s5+s3], $0x2700, $0x38;
	[tilespmem:$0x2B80] =	vst v63  }
0x14: {  	_ =	swait.ge [sflag:s10], $0x2700  }
0x15: {  	[sflag:s10] =	ssyncset.done $0x0  }
0x16: {  	[sflag:s10] =	ssyncadd.s32 $0xFFFFD900  }
0x17: {  	[tilespmem:s11], [sflag:$0x1] =	stream.linear.gather [hbm4b:s6+s3], $0x80, $0x38;
	[tilespmem:$0x2B80] =	vst v63  }
0x18: {  	_ =	swait.ge [sflag:s10], $0x80  }
0x19: {  	[sflag:s10] =	ssyncset.done $0x0  }
0x1a: {  	[sflag:s10] =	ssyncadd.s32 $0xFFFFFF80  }
0x1b: {  	[tilespmem:s12], [sflag:$0x1] =	stream.linear.gather [hbm4b:s4+s3], $0x80, $0x38;
	[tilespmem:$0x2B80] =	vst v63  }
0x1c: {  	_ =	swait.ge [sflag:s10], $0x80  }
0x1d: {  	[sflag:s10] =	ssyncset.done $0x0  }
0x1e: {  	[sflag:s10] =	ssyncadd.s32 $0xFFFFFF80  }
0x1f: {  	[spmem:s14], [sflag:s13] =	dma.local [hbm:s7], $0x50  }
0x20: {  	_ =	swait.ge [sflag:s10], $0x50  }
0x21: {  	[sflag:s10] =	ssyncset.done $0x0  }
0x22: {  	[sflag:s10] =	ssyncadd.s32 $0xFFFFFFB0  }
0x23: {  	s19 =	simm.s32 $0x0;
	[bflag:$0x0] =	sbarrier.arrive $0xFFFF  }
0x24: {  	[spmem:s1] =	stream.indirect.scatter.add.f32 [tilespmem:s12], [sflag:$0x1], $0x1, s19, s15, $0xb8;
	[tilespmem:$0x2B80] =	vst v63  }
0x25: {  	_ =	swait.ge [sflag:s10], $0x80  }
0x26: {  	s19 =	simm.s32 $0x200;
	[sflag:s10] =	ssyncset.done $0x0  }
.LBB2_2:
0x27: {  	s20 =	sshra.s32 s19, $0x2;
	[sflag:s10] =	ssyncadd.s32 $0xFFFFFF80;
	p0 =	sne.s32 s19, $0x9A00  }
0x28: {  	[spmem:s1] =	stream.indirect.scatter.add.f32 [tilespmem:s12], [sflag:$0x1], $0x1, s20, s15, $0xb8;
	[tilespmem:$0x2B80] =	vst v63  }
.Ltmp0:
0x29: {  	_ = 	snop;
	(pc) =	sbr.rel @p0 .LBB2_2-.Ltmp0, $4  }
0x2a: {  	_ = 	snop  }
0x2b: {  	s19 =	sadd.s32 $0x200, s19  }
0x2c: {  	_ =	swait.ge [sflag:s10], $0x80  }
0x2d: {  	[sflag:s10] =	ssyncset.done $0x0  }
0x2e: {  	[sflag:s10] =	ssyncadd.s32 $0xFFFFFF80  }
0x2f: {  	[spmem:s1] =	stream.indirect.scatter.add.f32 [tilespmem:s12], [sflag:$0x1], $0x1, s11, s16, $0xb8;
	[tilespmem:$0x2B80] =	vst v63  }
0x30: {  	_ =	swait.ge [sflag:s10], $0x10  }
0x31: {  	s18 =	sadd.s32 $0x1, s18;
	[sflag:s10] =	ssyncset.done $0x0  }
0x32: {  	p0 =	sne.s32 s18, s9;
	[sflag:s10] =	ssyncadd.s32 $0xFFFFFFF0  }
.Ltmp1:
0x33: {  	[bflag:$0x0] =	sbarrier.arrive $0xFFFF;
	(pc) =	sbr.rel @p0 .LBB2_1-.Ltmp1, $4  }
0x34: {  	[hbm:s8@s17], [sflag:s13] =	dma.strided [spmem:s14@s16], $0x50, s10, $0x10   }
0x35: {  	_ =	swait.ge [sflag:s10], $0x50  }
0x36: {  	[sflag:s10] =	ssyncset.done $0x0  }
0x37: {  	[sflag:s10] =	ssyncadd.s32 $0xFFFFFFB0  }
0x38: {  	_ =	sfence.sel $0x180000  }
0x39: {  	[bflag:$0x0] =	sbarrier.arrive $0xFFFF  }
0x3a: {  	p0 =	sne.s32 s2, $0x0;
	_ =	strace $0x90000047  }
0x3b: {  	s0 =	sadd.s32 @!p0 $0x100000, s0;
	[bflag:$0x2] =	sbarrier.arrive $0xFFFF  }
0x3c: {  	[sflag:s0] =	ssyncadd.tile.s32 @!p0 $0x1;
	_ =	shalt  }
.Lfunc_end2:
_tile_overlayer_lowered:
.L_overlay_start_2:
0x3d: {  	(tag) =	ssettag $0x2  }
0x3e: {  	s0 =	rddreg [dreg:$0x0];
	s2 =	stileid.u32  }
0x3f: {  	s1 =	rddreg [dreg:$0x1];
	p0 =	sne.s32 s2, $0x0  }
0x40: {  	s3 =	rddreg [dreg:$0x2];
	[bflag:$0x3] =	sbarrier.arrive $0xFFFF;
	s2 =	simm.s32 @!p0 $0x1C01  }
0x41: {  	[timem:s3], [sflag:s2] =	dma.local @!p0 [hbm:s0], s1  }
0x42: {  	s0 =	simm.s32 @!p0 $0x1  }
0x43: {  	_ =	swait.ge @!p0 [sflag:s0], s1  }
0x44: {  	s1 =	ssub.s32 @!p0 $0x0, s1;
	[sflag:s0] =	ssyncset.done @!p0 $0x0  }
0x45: {  	[sflag:s0] =	ssyncadd.s32 @!p0 s1  }
0x46: {  	[bflag:$0x3] =	sbarrier.arrive $0xFFFF  }
0x47: {  	_ =	shalt  }

</sc_bundles>
